<compile_context>
chip_gen: v7x
topology: tpu7x:2x2x1
jax: 0.10.2.dev20260603
libtpu: 0.0.44.dev20260713+nightly
codegen_flags: <defaults>
</compile_context>

<pallas_src>
import functools

import jax
import jax.numpy as jnp
from jax import lax
from jax.experimental import pallas as pl
from jax.experimental.pallas import tpu as pltpu
from jax.experimental.pallas import tpu_sc as plsc

NC = 2
NS = 16
NW = NC * NS
CHUNK = 40
NBUF = 4
DEPTH = 2
G = 25
ZR = 16


def _sc_aggregate(x, src, dst, n_chunk, npad, nps):
    _, d = x.shape
    mesh = plsc.VectorSubcoreMesh(core_axis_name="c", subcore_axis_name="s")

    @functools.partial(
        pl.kernel,
        mesh=mesh,
        out_type=jax.ShapeDtypeStruct((NC, npad, d), jnp.float32),
        scratch_types=[
            pltpu.VMEM((2, G, CHUNK), jnp.int32),
            pltpu.VMEM((2, G, CHUNK), jnp.int32),
            pltpu.VMEM((NBUF, CHUNK, d), jnp.float32),
            pltpu.VMEM((ZR, d), jnp.float32),
            pltpu.VMEM_SHARED((npad, d), jnp.float32),
            pltpu.SemaphoreType.DMA((NBUF,)),
            pltpu.SemaphoreType.DMA((NBUF,)),
            pltpu.SemaphoreType.DMA,
        ],
    )
    def agg_kernel(x_hbm, src_hbm, dst_hbm, out_hbm, srcb, dstb, rows, zbuf,
                   agg_sh, gsem, ssem, zsem):
        cid = lax.axis_index("c")
        sid = lax.axis_index("s")
        wid = sid * NC + cid
        row0 = sid * nps

        pltpu.sync_copy(src_hbm.at[wid, 0], srcb.at[0])
        pltpu.sync_copy(dst_hbm.at[wid, 0], dstb.at[0])
        for k in range(DEPTH):
            pltpu.async_copy(x_hbm.at[srcb.at[0, k]], rows.at[k], gsem.at[k])

        def zero_row(r, carry):
            for j in range(d // 16):
                zbuf[r, pl.ds(j * 16, 16)] = jnp.zeros((16,), jnp.float32)
            return carry
        lax.fori_loop(0, ZR, zero_row, 0)
        for k in range(nps // ZR):
            pltpu.async_copy(zbuf, agg_sh.at[pl.ds(row0 + k * ZR, ZR)], zsem)
        for k in range(nps // ZR):
            pltpu.make_async_copy(zbuf, agg_sh.at[pl.ds(row0, ZR)], zsem).wait()
        plsc.subcore_barrier()

        def body(c, carry):
            nxt = c + DEPTH + 1
            @pl.when(jnp.logical_and(lax.rem(nxt, G) == 0, nxt < n_chunk))
            def _():
                g = nxt // G
                slot = lax.rem(g, 2)
                pltpu.sync_copy(src_hbm.at[wid, g], srcb.at[slot])
                pltpu.sync_copy(dst_hbm.at[wid, g], dstb.at[slot])

            buf = lax.rem(c, NBUF)
            slot_c = lax.rem(c // G, 2)
            pos_c = lax.rem(c, G)
            pltpu.make_async_copy(x_hbm.at[srcb.at[slot_c, pos_c]],
                                  rows.at[buf], gsem.at[buf]).wait()
            pltpu.async_copy(rows.at[buf], agg_sh.at[dstb.at[slot_c, pos_c]],
                             ssem.at[buf], add=True)
            j = c + DEPTH
            @pl.when(j < n_chunk)
            def _():
                jbuf = lax.rem(j, NBUF)
                @pl.when(j >= NBUF)
                def _():
                    k = j - NBUF
                    pltpu.make_async_copy(
                        rows.at[jbuf],
                        agg_sh.at[dstb.at[lax.rem(k // G, 2), lax.rem(k, G)]],
                        ssem.at[jbuf]).wait()
                pltpu.async_copy(
                    x_hbm.at[srcb.at[lax.rem(j // G, 2), lax.rem(j, G)]],
                    rows.at[jbuf], gsem.at[jbuf])
            return carry
        lax.fori_loop(0, n_chunk, body, 0)

        for i in range(n_chunk - NBUF, n_chunk):
            pltpu.make_async_copy(
                rows.at[i % NBUF],
                agg_sh.at[dstb.at[(i // G) % 2, i % G]],
                ssem.at[i % NBUF]).wait()
        plsc.subcore_barrier()
        pltpu.sync_copy(agg_sh.at[pl.ds(row0, nps)],
                        out_hbm.at[cid, pl.ds(row0, nps)])

    return agg_kernel(x, src, dst)


def _mlp_body(eps_ref, x_ref, agg_ref, w1_ref, b1_ref, w2_ref, b2_ref, o_ref):
    h = x_ref[...] * (1.0 + eps_ref[0]) + agg_ref[0] + agg_ref[1]
    h = jnp.dot(h, w1_ref[...], preferred_element_type=jnp.float32) + b1_ref[...]
    h = jnp.maximum(h, 0.0)
    o_ref[...] = (jnp.dot(h, w2_ref[...], preferred_element_type=jnp.float32)
                  + b2_ref[...])


def kernel(x, edge_index, W1, b1, W2, b2, eps):
    n, d = x.shape
    e = edge_index.shape[1]
    e_per_w = e // NW
    n_chunk = e_per_w // CHUNK
    npad = 10240
    nps = npad // NS

    src = edge_index[0].reshape(NW, n_chunk // G, G, CHUNK)
    dst = edge_index[1].reshape(NW, n_chunk // G, G, CHUNK)
    partial = _sc_aggregate(x, src, dst, n_chunk, npad, nps)

    br = 2000
    grid = (n // br,)
    out = pl.pallas_call(
        _mlp_body,
        grid=grid,
        in_specs=[
            pl.BlockSpec(memory_space=pltpu.SMEM),
            pl.BlockSpec((br, d), lambda i: (i, 0)),
            pl.BlockSpec((NC, br, d), lambda i: (0, i, 0)),
            pl.BlockSpec((d, d), lambda i: (0, 0)),
            pl.BlockSpec((1, d), lambda i: (0, 0)),
            pl.BlockSpec((d, d), lambda i: (0, 0)),
            pl.BlockSpec((1, d), lambda i: (0, 0)),
        ],
        out_specs=pl.BlockSpec((br, d), lambda i: (i, 0)),
        out_shape=jax.ShapeDtypeStruct((n, d), jnp.float32),
    )(eps.reshape(1), x, partial, W1, b1.reshape(1, d), W2, b2.reshape(1, d))
    return out

# --- scband reference (transcript-rebuilt; emitter-appended) ---
"""Pipeline reference for scband-feed-forward-gnn-9174050144727 (READ-ONLY COPY).

The authoritative reference and input builder live on the scoring server;
editing this copy changes nothing except your own understanding.
"""

import jax, jax.numpy as jnp
import numpy as np

N = 10000
E = 320000
D = 128


def setup_inputs(seed: int = 0) -> dict:
    key = jax.random.key(seed)
    k1, k2, k3, k4, k5, k6 = jax.random.split(key, 6)
    x = jax.random.normal(k1, (N, D), dtype=jnp.float32)
    edge_index = jax.random.randint(k2, (2, E), 0, N, dtype=jnp.int32)
    scale = 1.0 / np.sqrt(D)
    W1 = jax.random.normal(k3, (D, D), dtype=jnp.float32) * scale
    b1 = jnp.zeros((D,), dtype=jnp.float32)
    W2 = jax.random.normal(k4, (D, D), dtype=jnp.float32) * scale
    b2 = jnp.zeros((D,), dtype=jnp.float32)
    eps = jnp.zeros((), dtype=jnp.float32)
    return {"x": x, "edge_index": edge_index, "W1": W1, "b1": b1, "W2": W2, "b2": b2, "eps": eps}


def reference(x, edge_index, W1, b1, W2, b2, eps):
    # Single-layer GIN message passing (UnsupervisedGIN with num_layers=1):
    #   h_v = MLP((1 + eps) * x_v + sum_{u in N(v)} x_u)
    # Dropout is identity at inference.
    src = edge_index[0]
    dst = edge_index[1]
    msgs = jnp.take(x, src, axis=0)                      # gather: [E, D]
    agg = jax.ops.segment_sum(msgs, dst, num_segments=N)  # scatter-add: [N, D]
    h = (1.0 + eps) * x + agg
    h = jnp.maximum(h @ W1 + b1, 0.0)
    h = h @ W2 + b2
    return h

if __name__ == "__main__":
    import jax
    _d = setup_inputs()
    print(jax.jit(kernel)(*tuple(_d.values())))

</pallas_src>

<mosaic_0001>
#map = affine_map<(d0, d1) -> (0, 0)>
#map1 = affine_map<(d0, d1) -> (0, 0, 0, 0)>
#map2 = affine_map<(d0, d1) -> (0, 0, 0)>
module attributes {stable_mosaic.version = 14 : i64} {
  func.func @agg_kernel(%arg0: i32, %arg1: i32, %arg2: memref<10000x128xf32, #tpu.memory_space<hbm>>, %arg3: memref<32x10x25x40xi32, #tpu.memory_space<hbm>>, %arg4: memref<32x10x25x40xi32, #tpu.memory_space<hbm>>, %arg5: memref<2x10240x128xf32, #tpu.memory_space<hbm>>, %arg6: memref<2x25x40xi32, #tpu.memory_space<vmem>>, %arg7: memref<2x25x40xi32, #tpu.memory_space<vmem>>, %arg8: memref<4x40x128xf32, #tpu.memory_space<vmem>>, %arg9: memref<16x128xf32, #tpu.memory_space<vmem>>, %arg10: memref<10240x128xf32, #tpu.memory_space<vmem_shared>>, %arg11: memref<4x!tpu.dma_semaphore, #tpu.memory_space<semaphore_mem>>, %arg12: memref<4x!tpu.dma_semaphore, #tpu.memory_space<semaphore_mem>>, %arg13: memref<!tpu.dma_semaphore, #tpu.memory_space<semaphore_mem>>) attributes {dimension_semantics = [#tpu.dimension_semantics<core_parallel>, #tpu.dimension_semantics<subcore_parallel>], iteration_bounds = array<i64: 2, 16>, scalar_prefetch = 0 : i64, scratch_operands = 8 : i64, tpu.core_type = #tpu.core_type<sc_vector_subcore>, window_params = [{transform_indices = #map}, {transform_indices = #map1}, {transform_indices = #map1}, {transform_indices = #map2}]} {
    %mul3A = arith.constant 2 : i32
    %mul3A_0 = arith.muli %arg1, %mul3A : i32
    %add3A = arith.addi %mul3A_0, %arg0 : i32
    %mul3A_1 = arith.constant 640 : i32
    %mul3A_2 = arith.muli %arg1, %mul3A_1 : i32
    %run_scoped3A = arith.constant 0 : i32
    %run_scoped3A_3 = arith.constant 0 : i32
    "tpu.region"() ({
      %run_scoped3A_512 = tpu.sem_alloc : memref<!tpu.dma_semaphore, #tpu.memory_space<semaphore_mem>>
      %dma_start3A_513 = arith.constant 0 : i32
      %dma_start3A_514 = arith.constant 0 : i32
      %dma_start3A_515 = tpu.memref_slice %arg6[%run_scoped3A_3, %dma_start3A_513, %dma_start3A_514] : memref<2x25x40xi32, #tpu.memory_space<vmem>> -> memref<1x25x40xi32, #tpu.memory_space<vmem>>
      %dma_start3A_516 = tpu.memref_squeeze %dma_start3A_515 : memref<1x25x40xi32, #tpu.memory_space<vmem>> -> memref<25x40xi32, #tpu.memory_space<vmem>>
      %dma_start3A_517 = arith.constant 0 : i32
      %dma_start3A_518 = arith.constant 0 : i32
      %dma_start3A_519 = tpu.memref_slice %arg3[%add3A, %run_scoped3A, %dma_start3A_517, %dma_start3A_518] : memref<32x10x25x40xi32, #tpu.memory_space<hbm>> -> memref<1x1x25x40xi32, #tpu.memory_space<hbm>>
      %dma_start3A_520 = tpu.memref_squeeze %dma_start3A_519 : memref<1x1x25x40xi32, #tpu.memory_space<hbm>> -> memref<25x40xi32, #tpu.memory_space<hbm>>
      %dma_start3A_521 = arith.constant 0 : i32
      %dma_start3A_522 = arith.constant 0 : i32
      %dma_start3A_523 = tpu.memref_slice %arg6[%run_scoped3A_3, %dma_start3A_521, %dma_start3A_522] : memref<2x25x40xi32, #tpu.memory_space<vmem>> -> memref<1x25x40xi32, #tpu.memory_space<vmem>>
      %dma_start3A_524 = tpu.memref_squeeze %dma_start3A_523 : memref<1x25x40xi32, #tpu.memory_space<vmem>> -> memref<25x40xi32, #tpu.memory_space<vmem>>
      %dma_start3A_525 = arith.constant 0 : i32
      %dma_start3A_526 = arith.constant 0 : i32
      %dma_start3A_527 = tpu.memref_slice %arg3[%add3A, %run_scoped3A, %dma_start3A_525, %dma_start3A_526] : memref<32x10x25x40xi32, #tpu.memory_space<hbm>> -> memref<1x1x25x40xi32, #tpu.memory_space<hbm>>
      %dma_start3A_528 = tpu.memref_squeeze %dma_start3A_527 : memref<1x1x25x40xi32, #tpu.memory_space<hbm>> -> memref<25x40xi32, #tpu.memory_space<hbm>>
      tpu.enqueue_dma source(%dma_start3A_528 : memref<25x40xi32, #tpu.memory_space<hbm>>) target(%dma_start3A_524 : memref<25x40xi32, #tpu.memory_space<vmem>>) target_semaphore(%run_scoped3A_512 : memref<!tpu.dma_semaphore, #tpu.memory_space<semaphore_mem>>)
      %dma_wait3A_529 = arith.constant 0 : i32
      %dma_wait3A_530 = arith.constant 0 : i32
      %dma_wait3A_531 = tpu.memref_slice %arg6[%run_scoped3A_3, %dma_wait3A_529, %dma_wait3A_530] : memref<2x25x40xi32, #tpu.memory_space<vmem>> -> memref<1x25x40xi32, #tpu.memory_space<vmem>>
      %dma_wait3A_532 = tpu.memref_squeeze %dma_wait3A_531 : memref<1x25x40xi32, #tpu.memory_space<vmem>> -> memref<25x40xi32, #tpu.memory_space<vmem>>
      %dma_wait3A_533 = arith.constant 0 : i32
      %dma_wait3A_534 = arith.constant 0 : i32
      %dma_wait3A_535 = tpu.memref_slice %arg3[%add3A, %run_scoped3A, %dma_wait3A_533, %dma_wait3A_534] : memref<32x10x25x40xi32, #tpu.memory_space<hbm>> -> memref<1x1x25x40xi32, #tpu.memory_space<hbm>>
      %dma_wait3A_536 = tpu.memref_squeeze %dma_wait3A_535 : memref<1x1x25x40xi32, #tpu.memory_space<hbm>> -> memref<25x40xi32, #tpu.memory_space<hbm>>
      %dma_wait3A_537 = arith.constant 0 : i32
      %dma_wait3A_538 = arith.constant 0 : i32
      %dma_wait3A_539 = tpu.memref_slice %arg6[%run_scoped3A_3, %dma_wait3A_537, %dma_wait3A_538] : memref<2x25x40xi32, #tpu.memory_space<vmem>> -> memref<1x25x40xi32, #tpu.memory_space<vmem>>
      %dma_wait3A_540 = tpu.memref_squeeze %dma_wait3A_539 : memref<1x25x40xi32, #tpu.memory_space<vmem>> -> memref<25x40xi32, #tpu.memory_space<vmem>>
      %dma_wait3A_541 = arith.constant 0 : i32
      %dma_wait3A_542 = arith.constant 0 : i32
      %dma_wait3A_543 = tpu.memref_slice %arg3[%add3A, %run_scoped3A, %dma_wait3A_541, %dma_wait3A_542] : memref<32x10x25x40xi32, #tpu.memory_space<hbm>> -> memref<1x1x25x40xi32, #tpu.memory_space<hbm>>
      %dma_wait3A_544 = tpu.memref_squeeze %dma_wait3A_543 : memref<1x1x25x40xi32, #tpu.memory_space<hbm>> -> memref<25x40xi32, #tpu.memory_space<hbm>>
      tpu.wait_dma2 semaphore(%run_scoped3A_512 : memref<!tpu.dma_semaphore, #tpu.memory_space<semaphore_mem>>) src(%dma_wait3A_544 : memref<25x40xi32, #tpu.memory_space<hbm>>) dst(%dma_wait3A_540 : memref<25x40xi32, #tpu.memory_space<vmem>>)
      tpu.yield
    }) : () -> ()
    %run_scoped3A_4 = arith.constant 0 : i32
    %run_scoped3A_5 = arith.constant 0 : i32
    "tpu.region"() ({
      %run_scoped3A_512 = tpu.sem_alloc : memref<!tpu.dma_semaphore, #tpu.memory_space<semaphore_mem>>
      %dma_start3A_513 = arith.constant 0 : i32
      %dma_start3A_514 = arith.constant 0 : i32
      %dma_start3A_515 = tpu.memref_slice %arg7[%run_scoped3A_5, %dma_start3A_513, %dma_start3A_514] : memref<2x25x40xi32, #tpu.memory_space<vmem>> -> memref<1x25x40xi32, #tpu.memory_space<vmem>>
      %dma_start3A_516 = tpu.memref_squeeze %dma_start3A_515 : memref<1x25x40xi32, #tpu.memory_space<vmem>> -> memref<25x40xi32, #tpu.memory_space<vmem>>
      %dma_start3A_517 = arith.constant 0 : i32
      %dma_start3A_518 = arith.constant 0 : i32
      %dma_start3A_519 = tpu.memref_slice %arg4[%add3A, %run_scoped3A_4, %dma_start3A_517, %dma_start3A_518] : memref<32x10x25x40xi32, #tpu.memory_space<hbm>> -> memref<1x1x25x40xi32, #tpu.memory_space<hbm>>
      %dma_start3A_520 = tpu.memref_squeeze %dma_start3A_519 : memref<1x1x25x40xi32, #tpu.memory_space<hbm>> -> memref<25x40xi32, #tpu.memory_space<hbm>>
      %dma_start3A_521 = arith.constant 0 : i32
      %dma_start3A_522 = arith.constant 0 : i32
      %dma_start3A_523 = tpu.memref_slice %arg7[%run_scoped3A_5, %dma_start3A_521, %dma_start3A_522] : memref<2x25x40xi32, #tpu.memory_space<vmem>> -> memref<1x25x40xi32, #tpu.memory_space<vmem>>
      %dma_start3A_524 = tpu.memref_squeeze %dma_start3A_523 : memref<1x25x40xi32, #tpu.memory_space<vmem>> -> memref<25x40xi32, #tpu.memory_space<vmem>>
      %dma_start3A_525 = arith.constant 0 : i32
      %dma_start3A_526 = arith.constant 0 : i32
      %dma_start3A_527 = tpu.memref_slice %arg4[%add3A, %run_scoped3A_4, %dma_start3A_525, %dma_start3A_526] : memref<32x10x25x40xi32, #tpu.memory_space<hbm>> -> memref<1x1x25x40xi32, #tpu.memory_space<hbm>>
      %dma_start3A_528 = tpu.memref_squeeze %dma_start3A_527 : memref<1x1x25x40xi32, #tpu.memory_space<hbm>> -> memref<25x40xi32, #tpu.memory_space<hbm>>
      tpu.enqueue_dma source(%dma_start3A_528 : memref<25x40xi32, #tpu.memory_space<hbm>>) target(%dma_start3A_524 : memref<25x40xi32, #tpu.memory_space<vmem>>) target_semaphore(%run_scoped3A_512 : memref<!tpu.dma_semaphore, #tpu.memory_space<semaphore_mem>>)
      %dma_wait3A_529 = arith.constant 0 : i32
      %dma_wait3A_530 = arith.constant 0 : i32
      %dma_wait3A_531 = tpu.memref_slice %arg7[%run_scoped3A_5, %dma_wait3A_529, %dma_wait3A_530] : memref<2x25x40xi32, #tpu.memory_space<vmem>> -> memref<1x25x40xi32, #tpu.memory_space<vmem>>
      %dma_wait3A_532 = tpu.memref_squeeze %dma_wait3A_531 : memref<1x25x40xi32, #tpu.memory_space<vmem>> -> memref<25x40xi32, #tpu.memory_space<vmem>>
      %dma_wait3A_533 = arith.constant 0 : i32
      %dma_wait3A_534 = arith.constant 0 : i32
      %dma_wait3A_535 = tpu.memref_slice %arg4[%add3A, %run_scoped3A_4, %dma_wait3A_533, %dma_wait3A_534] : memref<32x10x25x40xi32, #tpu.memory_space<hbm>> -> memref<1x1x25x40xi32, #tpu.memory_space<hbm>>
      %dma_wait3A_536 = tpu.memref_squeeze %dma_wait3A_535 : memref<1x1x25x40xi32, #tpu.memory_space<hbm>> -> memref<25x40xi32, #tpu.memory_space<hbm>>
      %dma_wait3A_537 = arith.constant 0 : i32
      %dma_wait3A_538 = arith.constant 0 : i32
      %dma_wait3A_539 = tpu.memref_slice %arg7[%run_scoped3A_5, %dma_wait3A_537, %dma_wait3A_538] : memref<2x25x40xi32, #tpu.memory_space<vmem>> -> memref<1x25x40xi32, #tpu.memory_space<vmem>>
      %dma_wait3A_540 = tpu.memref_squeeze %dma_wait3A_539 : memref<1x25x40xi32, #tpu.memory_space<vmem>> -> memref<25x40xi32, #tpu.memory_space<vmem>>
      %dma_wait3A_541 = arith.constant 0 : i32
      %dma_wait3A_542 = arith.constant 0 : i32
      %dma_wait3A_543 = tpu.memref_slice %arg4[%add3A, %run_scoped3A_4, %dma_wait3A_541, %dma_wait3A_542] : memref<32x10x25x40xi32, #tpu.memory_space<hbm>> -> memref<1x1x25x40xi32, #tpu.memory_space<hbm>>
      %dma_wait3A_544 = tpu.memref_squeeze %dma_wait3A_543 : memref<1x1x25x40xi32, #tpu.memory_space<hbm>> -> memref<25x40xi32, #tpu.memory_space<hbm>>
      tpu.wait_dma2 semaphore(%run_scoped3A_512 : memref<!tpu.dma_semaphore, #tpu.memory_space<semaphore_mem>>) src(%dma_wait3A_544 : memref<25x40xi32, #tpu.memory_space<hbm>>) dst(%dma_wait3A_540 : memref<25x40xi32, #tpu.memory_space<vmem>>)
      tpu.yield
    }) : () -> ()
    %dma_start3A = arith.constant 0 : i32
    %dma_start3A_6 = arith.constant 0 : i32
    %dma_start3A_7 = arith.constant 0 : i32
    %dma_start3A_8 = arith.constant 0 : i32
    %dma_start3A_9 = arith.constant 0 : i32
    %dma_start3A_10 = arith.constant 0 : i32
    %dma_start3A_11 = tpu.memref_slice %arg8[%dma_start3A_7, %dma_start3A_9, %dma_start3A_10] : memref<4x40x128xf32, #tpu.memory_space<vmem>> -> memref<1x40x128xf32, #tpu.memory_space<vmem>>
    %dma_start3A_12 = tpu.memref_squeeze %dma_start3A_11 : memref<1x40x128xf32, #tpu.memory_space<vmem>> -> memref<40x128xf32, #tpu.memory_space<vmem>>
    %dma_start3A_13 = arith.constant 0 : i32
    %dma_start3A_14 = tpu.memref_slice %arg6[%dma_start3A, %dma_start3A_6, %dma_start3A_13] : memref<2x25x40xi32, #tpu.memory_space<vmem>> -> memref<1x1x40xi32, #tpu.memory_space<vmem>>
    %dma_start3A_15 = tpu.memref_squeeze %dma_start3A_14 : memref<1x1x40xi32, #tpu.memory_space<vmem>> -> memref<40xi32, #tpu.memory_space<vmem>>
    %dma_start3A_16 = arith.constant 0 : i32
    %dma_start3A_17 = arith.constant 0 : i32
    %dma_start3A_18 = tpu.memref_slice %arg2[%dma_start3A_16, %dma_start3A_17] : memref<10000x128xf32, #tpu.memory_space<hbm>> -> memref<10000x128xf32, #tpu.memory_space<hbm>>
    %dma_start3A_19 = tpu.memref_slice %arg11[%dma_start3A_8] : memref<4x!tpu.dma_semaphore, #tpu.memory_space<semaphore_mem>> -> memref<1x!tpu.dma_semaphore, #tpu.memory_space<semaphore_mem>>
    %dma_start3A_20 = tpu.memref_squeeze %dma_start3A_19 : memref<1x!tpu.dma_semaphore, #tpu.memory_space<semaphore_mem>> -> memref<!tpu.dma_semaphore, #tpu.memory_space<semaphore_mem>>
    tpu.enqueue_indirect_dma source(%dma_start3A_18 : memref<10000x128xf32, #tpu.memory_space<hbm>>) target(%dma_start3A_12 : memref<40x128xf32, #tpu.memory_space<vmem>>) offsets(%dma_start3A_15 : memref<40xi32, #tpu.memory_space<vmem>>) semaphore(%dma_start3A_20 : memref<!tpu.dma_semaphore, #tpu.memory_space<semaphore_mem>>)
    %dma_start3A_21 = arith.constant 0 : i32
    %dma_start3A_22 = arith.constant 1 : i32
    %dma_start3A_23 = arith.constant 1 : i32
    %dma_start3A_24 = arith.constant 1 : i32
    %dma_start3A_25 = arith.constant 0 : i32
    %dma_start3A_26 = arith.constant 0 : i32
    %dma_start3A_27 = tpu.memref_slice %arg8[%dma_start3A_23, %dma_start3A_25, %dma_start3A_26] : memref<4x40x128xf32, #tpu.memory_space<vmem>> -> memref<1x40x128xf32, #tpu.memory_space<vmem>>
    %dma_start3A_28 = tpu.memref_squeeze %dma_start3A_27 : memref<1x40x128xf32, #tpu.memory_space<vmem>> -> memref<40x128xf32, #tpu.memory_space<vmem>>
    %dma_start3A_29 = arith.constant 0 : i32
    %dma_start3A_30 = tpu.memref_slice %arg6[%dma_start3A_21, %dma_start3A_22, %dma_start3A_29] : memref<2x25x40xi32, #tpu.memory_space<vmem>> -> memref<1x1x40xi32, #tpu.memory_space<vmem>>
    %dma_start3A_31 = tpu.memref_squeeze %dma_start3A_30 : memref<1x1x40xi32, #tpu.memory_space<vmem>> -> memref<40xi32, #tpu.memory_space<vmem>>
    %dma_start3A_32 = arith.constant 0 : i32
    %dma_start3A_33 = arith.constant 0 : i32
    %dma_start3A_34 = tpu.memref_slice %arg2[%dma_start3A_32, %dma_start3A_33] : memref<10000x128xf32, #tpu.memory_space<hbm>> -> memref<10000x128xf32, #tpu.memory_space<hbm>>
    %dma_start3A_35 = tpu.memref_slice %arg11[%dma_start3A_24] : memref<4x!tpu.dma_semaphore, #tpu.memory_space<semaphore_mem>> -> memref<1x!tpu.dma_semaphore, #tpu.memory_space<semaphore_mem>>
    %dma_start3A_36 = tpu.memref_squeeze %dma_start3A_35 : memref<1x!tpu.dma_semaphore, #tpu.memory_space<semaphore_mem>> -> memref<!tpu.dma_semaphore, #tpu.memory_space<semaphore_mem>>
    tpu.enqueue_indirect_dma source(%dma_start3A_34 : memref<10000x128xf32, #tpu.memory_space<hbm>>) target(%dma_start3A_28 : memref<40x128xf32, #tpu.memory_space<vmem>>) offsets(%dma_start3A_31 : memref<40xi32, #tpu.memory_space<vmem>>) semaphore(%dma_start3A_36 : memref<!tpu.dma_semaphore, #tpu.memory_space<semaphore_mem>>)
    %scan3A = arith.constant 0 : i32
    %scan3A_37 = arith.constant 0 : i32
    %scan3A_38 = arith.constant 16 : i32
    %scan3A_39 = arith.addi %scan3A_37, %scan3A_38 : i32
    %scan3A_40 = arith.constant 1 : i32
    scf.for %scan3A_512 = %scan3A_37 to %scan3A_39 step %scan3A_40  : i32 {
      %broadcast_in_dim3A = arith.constant 0.000000e+00 : f32
      %broadcast_in_dim3A_513 = vector.broadcast %broadcast_in_dim3A : f32 to vector<16xf32>
      %swap3A = arith.index_cast %scan3A_512 : i32 to index
      %swap3A_514 = arith.constant 0 : index
      %swap3A_515 = tpu.vector_load %arg9[%swap3A, %swap3A_514] {strides = array<i32>} : memref<16x128xf32, #tpu.memory_space<vmem>>, vector<1x16xf32>,
      %swap3A_516 = vector.shape_cast %swap3A_515 : vector<1x16xf32> to vector<16xf32>
      %swap3A_517 = vector.shape_cast %broadcast_in_dim3A_513 : vector<16xf32> to vector<1x16xf32>
      tpu.vector_store %arg9[%swap3A, %swap3A_514], %swap3A_517 {strides = array<i32>} : memref<16x128xf32, #tpu.memory_space<vmem>>, vector<1x16xf32>,
      %broadcast_in_dim3A_518 = arith.constant 0.000000e+00 : f32
      %broadcast_in_dim3A_519 = vector.broadcast %broadcast_in_dim3A_518 : f32 to vector<16xf32>
      %swap3A_520 = arith.index_cast %scan3A_512 : i32 to index
      %swap3A_521 = arith.constant 16 : index
      %swap3A_522 = tpu.vector_load %arg9[%swap3A_520, %swap3A_521] {strides = array<i32>} : memref<16x128xf32, #tpu.memory_space<vmem>>, vector<1x16xf32>,
      %swap3A_523 = vector.shape_cast %swap3A_522 : vector<1x16xf32> to vector<16xf32>
      %swap3A_524 = vector.shape_cast %broadcast_in_dim3A_519 : vector<16xf32> to vector<1x16xf32>
      tpu.vector_store %arg9[%swap3A_520, %swap3A_521], %swap3A_524 {strides = array<i32>} : memref<16x128xf32, #tpu.memory_space<vmem>>, vector<1x16xf32>,
      %broadcast_in_dim3A_525 = arith.constant 0.000000e+00 : f32
      %broadcast_in_dim3A_526 = vector.broadcast %broadcast_in_dim3A_525 : f32 to vector<16xf32>
      %swap3A_527 = arith.index_cast %scan3A_512 : i32 to index
      %swap3A_528 = arith.constant 32 : index
      %swap3A_529 = tpu.vector_load %arg9[%swap3A_527, %swap3A_528] {strides = array<i32>} : memref<16x128xf32, #tpu.memory_space<vmem>>, vector<1x16xf32>,
      %swap3A_530 = vector.shape_cast %swap3A_529 : vector<1x16xf32> to vector<16xf32>
      %swap3A_531 = vector.shape_cast %broadcast_in_dim3A_526 : vector<16xf32> to vector<1x16xf32>
      tpu.vector_store %arg9[%swap3A_527, %swap3A_528], %swap3A_531 {strides = array<i32>} : memref<16x128xf32, #tpu.memory_space<vmem>>, vector<1x16xf32>,
      %broadcast_in_dim3A_532 = arith.constant 0.000000e+00 : f32
      %broadcast_in_dim3A_533 = vector.broadcast %broadcast_in_dim3A_532 : f32 to vector<16xf32>
      %swap3A_534 = arith.index_cast %scan3A_512 : i32 to index
      %swap3A_535 = arith.constant 48 : index
      %swap3A_536 = tpu.vector_load %arg9[%swap3A_534, %swap3A_535] {strides = array<i32>} : memref<16x128xf32, #tpu.memory_space<vmem>>, vector<1x16xf32>,
      %swap3A_537 = vector.shape_cast %swap3A_536 : vector<1x16xf32> to vector<16xf32>
      %swap3A_538 = vector.shape_cast %broadcast_in_dim3A_533 : vector<16xf32> to vector<1x16xf32>
      tpu.vector_store %arg9[%swap3A_534, %swap3A_535], %swap3A_538 {strides = array<i32>} : memref<16x128xf32, #tpu.memory_space<vmem>>, vector<1x16xf32>,
      %broadcast_in_dim3A_539 = arith.constant 0.000000e+00 : f32
      %broadcast_in_dim3A_540 = vector.broadcast %broadcast_in_dim3A_539 : f32 to vector<16xf32>
      %swap3A_541 = arith.index_cast %scan3A_512 : i32 to index
      %swap3A_542 = arith.constant 64 : index
      %swap3A_543 = tpu.vector_load %arg9[%swap3A_541, %swap3A_542] {strides = array<i32>} : memref<16x128xf32, #tpu.memory_space<vmem>>, vector<1x16xf32>,
      %swap3A_544 = vector.shape_cast %swap3A_543 : vector<1x16xf32> to vector<16xf32>
      %swap3A_545 = vector.shape_cast %broadcast_in_dim3A_540 : vector<16xf32> to vector<1x16xf32>
      tpu.vector_store %arg9[%swap3A_541, %swap3A_542], %swap3A_545 {strides = array<i32>} : memref<16x128xf32, #tpu.memory_space<vmem>>, vector<1x16xf32>,
      %broadcast_in_dim3A_546 = arith.constant 0.000000e+00 : f32
      %broadcast_in_dim3A_547 = vector.broadcast %broadcast_in_dim3A_546 : f32 to vector<16xf32>
      %swap3A_548 = arith.index_cast %scan3A_512 : i32 to index
      %swap3A_549 = arith.constant 80 : index
      %swap3A_550 = tpu.vector_load %arg9[%swap3A_548, %swap3A_549] {strides = array<i32>} : memref<16x128xf32, #tpu.memory_space<vmem>>, vector<1x16xf32>,
      %swap3A_551 = vector.shape_cast %swap3A_550 : vector<1x16xf32> to vector<16xf32>
      %swap3A_552 = vector.shape_cast %broadcast_in_dim3A_547 : vector<16xf32> to vector<1x16xf32>
      tpu.vector_store %arg9[%swap3A_548, %swap3A_549], %swap3A_552 {strides = array<i32>} : memref<16x128xf32, #tpu.memory_space<vmem>>, vector<1x16xf32>,
      %broadcast_in_dim3A_553 = arith.constant 0.000000e+00 : f32
      %broadcast_in_dim3A_554 = vector.broadcast %broadcast_in_dim3A_553 : f32 to vector<16xf32>
      %swap3A_555 = arith.index_cast %scan3A_512 : i32 to index
      %swap3A_556 = arith.constant 96 : index
      %swap3A_557 = tpu.vector_load %arg9[%swap3A_555, %swap3A_556] {strides = array<i32>} : memref<16x128xf32, #tpu.memory_space<vmem>>, vector<1x16xf32>,
      %swap3A_558 = vector.shape_cast %swap3A_557 : vector<1x16xf32> to vector<16xf32>
      %swap3A_559 = vector.shape_cast %broadcast_in_dim3A_554 : vector<16xf32> to vector<1x16xf32>
      tpu.vector_store %arg9[%swap3A_555, %swap3A_556], %swap3A_559 {strides = array<i32>} : memref<16x128xf32, #tpu.memory_space<vmem>>, vector<1x16xf32>,
      %broadcast_in_dim3A_560 = arith.constant 0.000000e+00 : f32
      %broadcast_in_dim3A_561 = vector.broadcast %broadcast_in_dim3A_560 : f32 to vector<16xf32>
      %swap3A_562 = arith.index_cast %scan3A_512 : i32 to index
      %swap3A_563 = arith.constant 112 : index
      %swap3A_564 = tpu.vector_load %arg9[%swap3A_562, %swap3A_563] {strides = array<i32>} : memref<16x128xf32, #tpu.memory_space<vmem>>, vector<1x16xf32>,
      %swap3A_565 = vector.shape_cast %swap3A_564 : vector<1x16xf32> to vector<16xf32>
      %swap3A_566 = vector.shape_cast %broadcast_in_dim3A_561 : vector<16xf32> to vector<1x16xf32>
      tpu.vector_store %arg9[%swap3A_562, %swap3A_563], %swap3A_566 {strides = array<i32>} : memref<16x128xf32, #tpu.memory_space<vmem>>, vector<1x16xf32>,
    }
    %scan3A_41 = arith.constant 16 : i32
    %add3A_42 = arith.constant 0 : i32
    %add3A_43 = arith.addi %mul3A_2, %add3A_42 : i32
    %dma_start3A_44 = arith.constant 0 : i32
    %dma_start3A_45 = tpu.memref_slice %arg10[%add3A_43, %dma_start3A_44] : memref<10240x128xf32, #tpu.memory_space<vmem_shared>> -> memref<16x128xf32, #tpu.memory_space<vmem_shared>>
    %dma_start3A_46 = arith.constant 0 : i32
    %dma_start3A_47 = tpu.memref_slice %arg10[%add3A_43, %dma_start3A_46] : memref<10240x128xf32, #tpu.memory_space<vmem_shared>> -> memref<16x128xf32, #tpu.memory_space<vmem_shared>>
    tpu.enqueue_dma source(%arg9 : memref<16x128xf32, #tpu.memory_space<vmem>>) target(%dma_start3A_47 : memref<16x128xf32, #tpu.memory_space<vmem_shared>>) target_semaphore(%arg13 : memref<!tpu.dma_semaphore, #tpu.memory_space<semaphore_mem>>)
    %add3A_48 = arith.constant 16 : i32
    %add3A_49 = arith.addi %mul3A_2, %add3A_48 : i32
    %dma_start3A_50 = arith.constant 0 : i32
    %dma_start3A_51 = tpu.memref_slice %arg10[%add3A_49, %dma_start3A_50] : memref<10240x128xf32, #tpu.memory_space<vmem_shared>> -> memref<16x128xf32, #tpu.memory_space<vmem_shared>>
    %dma_start3A_52 = arith.constant 0 : i32
    %dma_start3A_53 = tpu.memref_slice %arg10[%add3A_49, %dma_start3A_52] : memref<10240x128xf32, #tpu.memory_space<vmem_shared>> -> memref<16x128xf32, #tpu.memory_space<vmem_shared>>
    tpu.enqueue_dma source(%arg9 : memref<16x128xf32, #tpu.memory_space<vmem>>) target(%dma_start3A_53 : memref<16x128xf32, #tpu.memory_space<vmem_shared>>) target_semaphore(%arg13 : memref<!tpu.dma_semaphore, #tpu.memory_space<semaphore_mem>>)
    %add3A_54 = arith.constant 32 : i32
    %add3A_55 = arith.addi %mul3A_2, %add3A_54 : i32
    %dma_start3A_56 = arith.constant 0 : i32
    %dma_start3A_57 = tpu.memref_slice %arg10[%add3A_55, %dma_start3A_56] : memref<10240x128xf32, #tpu.memory_space<vmem_shared>> -> memref<16x128xf32, #tpu.memory_space<vmem_shared>>
    %dma_start3A_58 = arith.constant 0 : i32
    %dma_start3A_59 = tpu.memref_slice %arg10[%add3A_55, %dma_start3A_58] : memref<10240x128xf32, #tpu.memory_space<vmem_shared>> -> memref<16x128xf32, #tpu.memory_space<vmem_shared>>
    tpu.enqueue_dma source(%arg9 : memref<16x128xf32, #tpu.memory_space<vmem>>) target(%dma_start3A_59 : memref<16x128xf32, #tpu.memory_space<vmem_shared>>) target_semaphore(%arg13 : memref<!tpu.dma_semaphore, #tpu.memory_space<semaphore_mem>>)
    %add3A_60 = arith.constant 48 : i32
    %add3A_61 = arith.addi %mul3A_2, %add3A_60 : i32
    %dma_start3A_62 = arith.constant 0 : i32
    %dma_start3A_63 = tpu.memref_slice %arg10[%add3A_61, %dma_start3A_62] : memref<10240x128xf32, #tpu.memory_space<vmem_shared>> -> memref<16x128xf32, #tpu.memory_space<vmem_shared>>
    %dma_start3A_64 = arith.constant 0 : i32
    %dma_start3A_65 = tpu.memref_slice %arg10[%add3A_61, %dma_start3A_64] : memref<10240x128xf32, #tpu.memory_space<vmem_shared>> -> memref<16x128xf32, #tpu.memory_space<vmem_shared>>
    tpu.enqueue_dma source(%arg9 : memref<16x128xf32, #tpu.memory_space<vmem>>) target(%dma_start3A_65 : memref<16x128xf32, #tpu.memory_space<vmem_shared>>) target_semaphore(%arg13 : memref<!tpu.dma_semaphore, #tpu.memory_space<semaphore_mem>>)
    %add3A_66 = arith.constant 64 : i32
    %add3A_67 = arith.addi %mul3A_2, %add3A_66 : i32
    %dma_start3A_68 = arith.constant 0 : i32
    %dma_start3A_69 = tpu.memref_slice %arg10[%add3A_67, %dma_start3A_68] : memref<10240x128xf32, #tpu.memory_space<vmem_shared>> -> memref<16x128xf32, #tpu.memory_space<vmem_shared>>
    %dma_start3A_70 = arith.constant 0 : i32
    %dma_start3A_71 = tpu.memref_slice %arg10[%add3A_67, %dma_start3A_70] : memref<10240x128xf32, #tpu.memory_space<vmem_shared>> -> memref<16x128xf32, #tpu.memory_space<vmem_shared>>
    tpu.enqueue_dma source(%arg9 : memref<16x128xf32, #tpu.memory_space<vmem>>) target(%dma_start3A_71 : memref<16x128xf32, #tpu.memory_space<vmem_shared>>) target_semaphore(%arg13 : memref<!tpu.dma_semaphore, #tpu.memory_space<semaphore_mem>>)
    %add3A_72 = arith.constant 80 : i32
    %add3A_73 = arith.addi %mul3A_2, %add3A_72 : i32
    %dma_start3A_74 = arith.constant 0 : i32
    %dma_start3A_75 = tpu.memref_slice %arg10[%add3A_73, %dma_start3A_74] : memref<10240x128xf32, #tpu.memory_space<vmem_shared>> -> memref<16x128xf32, #tpu.memory_space<vmem_shared>>
    %dma_start3A_76 = arith.constant 0 : i32
    %dma_start3A_77 = tpu.memref_slice %arg10[%add3A_73, %dma_start3A_76] : memref<10240x128xf32, #tpu.memory_space<vmem_shared>> -> memref<16x128xf32, #tpu.memory_space<vmem_shared>>
    tpu.enqueue_dma source(%arg9 : memref<16x128xf32, #tpu.memory_space<vmem>>) target(%dma_start3A_77 : memref<16x128xf32, #tpu.memory_space<vmem_shared>>) target_semaphore(%arg13 : memref<!tpu.dma_semaphore, #tpu.memory_space<semaphore_mem>>)
    %add3A_78 = arith.constant 96 : i32
    %add3A_79 = arith.addi %mul3A_2, %add3A_78 : i32
    %dma_start3A_80 = arith.constant 0 : i32
    %dma_start3A_81 = tpu.memref_slice %arg10[%add3A_79, %dma_start3A_80] : memref<10240x128xf32, #tpu.memory_space<vmem_shared>> -> memref<16x128xf32, #tpu.memory_space<vmem_shared>>
    %dma_start3A_82 = arith.constant 0 : i32
    %dma_start3A_83 = tpu.memref_slice %arg10[%add3A_79, %dma_start3A_82] : memref<10240x128xf32, #tpu.memory_space<vmem_shared>> -> memref<16x128xf32, #tpu.memory_space<vmem_shared>>
    tpu.enqueue_dma source(%arg9 : memref<16x128xf32, #tpu.memory_space<vmem>>) target(%dma_start3A_83 : memref<16x128xf32, #tpu.memory_space<vmem_shared>>) target_semaphore(%arg13 : memref<!tpu.dma_semaphore, #tpu.memory_space<semaphore_mem>>)
    %add3A_84 = arith.constant 112 : i32
    %add3A_85 = arith.addi %mul3A_2, %add3A_84 : i32
    %dma_start3A_86 = arith.constant 0 : i32
    %dma_start3A_87 = tpu.memref_slice %arg10[%add3A_85, %dma_start3A_86] : memref<10240x128xf32, #tpu.memory_space<vmem_shared>> -> memref<16x128xf32, #tpu.memory_space<vmem_shared>>
    %dma_start3A_88 = arith.constant 0 : i32
    %dma_start3A_89 = tpu.memref_slice %arg10[%add3A_85, %dma_start3A_88] : memref<10240x128xf32, #tpu.memory_space<vmem_shared>> -> memref<16x128xf32, #tpu.memory_space<vmem_shared>>
    tpu.enqueue_dma source(%arg9 : memref<16x128xf32, #tpu.memory_space<vmem>>) target(%dma_start3A_89 : memref<16x128xf32, #tpu.memory_space<vmem_shared>>) target_semaphore(%arg13 : memref<!tpu.dma_semaphore, #tpu.memory_space<semaphore_mem>>)
    %add3A_90 = arith.constant 128 : i32
    %add3A_91 = arith.addi %mul3A_2, %add3A_90 : i32
    %dma_start3A_92 = arith.constant 0 : i32
    %dma_start3A_93 = tpu.memref_slice %arg10[%add3A_91, %dma_start3A_92] : memref<10240x128xf32, #tpu.memory_space<vmem_shared>> -> memref<16x128xf32, #tpu.memory_space<vmem_shared>>
    %dma_start3A_94 = arith.constant 0 : i32
    %dma_start3A_95 = tpu.memref_slice %arg10[%add3A_91, %dma_start3A_94] : memref<10240x128xf32, #tpu.memory_space<vmem_shared>> -> memref<16x128xf32, #tpu.memory_space<vmem_shared>>
    tpu.enqueue_dma source(%arg9 : memref<16x128xf32, #tpu.memory_space<vmem>>) target(%dma_start3A_95 : memref<16x128xf32, #tpu.memory_space<vmem_shared>>) target_semaphore(%arg13 : memref<!tpu.dma_semaphore, #tpu.memory_space<semaphore_mem>>)
    %add3A_96 = arith.constant 144 : i32
    %add3A_97 = arith.addi %mul3A_2, %add3A_96 : i32
    %dma_start3A_98 = arith.constant 0 : i32
    %dma_start3A_99 = tpu.memref_slice %arg10[%add3A_97, %dma_start3A_98] : memref<10240x128xf32, #tpu.memory_space<vmem_shared>> -> memref<16x128xf32, #tpu.memory_space<vmem_shared>>
    %dma_start3A_100 = arith.constant 0 : i32
    %dma_start3A_101 = tpu.memref_slice %arg10[%add3A_97, %dma_start3A_100] : memref<10240x128xf32, #tpu.memory_space<vmem_shared>> -> memref<16x128xf32, #tpu.memory_space<vmem_shared>>
    tpu.enqueue_dma source(%arg9 : memref<16x128xf32, #tpu.memory_space<vmem>>) target(%dma_start3A_101 : memref<16x128xf32, #tpu.memory_space<vmem_shared>>) target_semaphore(%arg13 : memref<!tpu.dma_semaphore, #tpu.memory_space<semaphore_mem>>)
    %add3A_102 = arith.constant 160 : i32
    %add3A_103 = arith.addi %mul3A_2, %add3A_102 : i32
    %dma_start3A_104 = arith.constant 0 : i32
    %dma_start3A_105 = tpu.memref_slice %arg10[%add3A_103, %dma_start3A_104] : memref<10240x128xf32, #tpu.memory_space<vmem_shared>> -> memref<16x128xf32, #tpu.memory_space<vmem_shared>>
    %dma_start3A_106 = arith.constant 0 : i32
    %dma_start3A_107 = tpu.memref_slice %arg10[%add3A_103, %dma_start3A_106] : memref<10240x128xf32, #tpu.memory_space<vmem_shared>> -> memref<16x128xf32, #tpu.memory_space<vmem_shared>>
    tpu.enqueue_dma source(%arg9 : memref<16x128xf32, #tpu.memory_space<vmem>>) target(%dma_start3A_107 : memref<16x128xf32, #tpu.memory_space<vmem_shared>>) target_semaphore(%arg13 : memref<!tpu.dma_semaphore, #tpu.memory_space<semaphore_mem>>)
    %add3A_108 = arith.constant 176 : i32
    %add3A_109 = arith.addi %mul3A_2, %add3A_108 : i32
    %dma_start3A_110 = arith.constant 0 : i32
    %dma_start3A_111 = tpu.memref_slice %arg10[%add3A_109, %dma_start3A_110] : memref<10240x128xf32, #tpu.memory_space<vmem_shared>> -> memref<16x128xf32, #tpu.memory_space<vmem_shared>>
    %dma_start3A_112 = arith.constant 0 : i32
    %dma_start3A_113 = tpu.memref_slice %arg10[%add3A_109, %dma_start3A_112] : memref<10240x128xf32, #tpu.memory_space<vmem_shared>> -> memref<16x128xf32, #tpu.memory_space<vmem_shared>>
    tpu.enqueue_dma source(%arg9 : memref<16x128xf32, #tpu.memory_space<vmem>>) target(%dma_start3A_113 : memref<16x128xf32, #tpu.memory_space<vmem_shared>>) target_semaphore(%arg13 : memref<!tpu.dma_semaphore, #tpu.memory_space<semaphore_mem>>)
    %add3A_114 = arith.constant 192 : i32
    %add3A_115 = arith.addi %mul3A_2, %add3A_114 : i32
    %dma_start3A_116 = arith.constant 0 : i32
    %dma_start3A_117 = tpu.memref_slice %arg10[%add3A_115, %dma_start3A_116] : memref<10240x128xf32, #tpu.memory_space<vmem_shared>> -> memref<16x128xf32, #tpu.memory_space<vmem_shared>>
    %dma_start3A_118 = arith.constant 0 : i32
    %dma_start3A_119 = tpu.memref_slice %arg10[%add3A_115, %dma_start3A_118] : memref<10240x128xf32, #tpu.memory_space<vmem_shared>> -> memref<16x128xf32, #tpu.memory_space<vmem_shared>>
    tpu.enqueue_dma source(%arg9 : memref<16x128xf32, #tpu.memory_space<vmem>>) target(%dma_start3A_119 : memref<16x128xf32, #tpu.memory_space<vmem_shared>>) target_semaphore(%arg13 : memref<!tpu.dma_semaphore, #tpu.memory_space<semaphore_mem>>)
    %add3A_120 = arith.constant 208 : i32
    %add3A_121 = arith.addi %mul3A_2, %add3A_120 : i32
    %dma_start3A_122 = arith.constant 0 : i32
    %dma_start3A_123 = tpu.memref_slice %arg10[%add3A_121, %dma_start3A_122] : memref<10240x128xf32, #tpu.memory_space<vmem_shared>> -> memref<16x128xf32, #tpu.memory_space<vmem_shared>>
    %dma_start3A_124 = arith.constant 0 : i32
    %dma_start3A_125 = tpu.memref_slice %arg10[%add3A_121, %dma_start3A_124] : memref<10240x128xf32, #tpu.memory_space<vmem_shared>> -> memref<16x128xf32, #tpu.memory_space<vmem_shared>>
    tpu.enqueue_dma source(%arg9 : memref<16x128xf32, #tpu.memory_space<vmem>>) target(%dma_start3A_125 : memref<16x128xf32, #tpu.memory_space<vmem_shared>>) target_semaphore(%arg13 : memref<!tpu.dma_semaphore, #tpu.memory_space<semaphore_mem>>)
    %add3A_126 = arith.constant 224 : i32
    %add3A_127 = arith.addi %mul3A_2, %add3A_126 : i32
    %dma_start3A_128 = arith.constant 0 : i32
    %dma_start3A_129 = tpu.memref_slice %arg10[%add3A_127, %dma_start3A_128] : memref<10240x128xf32, #tpu.memory_space<vmem_shared>> -> memref<16x128xf32, #tpu.memory_space<vmem_shared>>
    %dma_start3A_130 = arith.constant 0 : i32
    %dma_start3A_131 = tpu.memref_slice %arg10[%add3A_127, %dma_start3A_130] : memref<10240x128xf32, #tpu.memory_space<vmem_shared>> -> memref<16x128xf32, #tpu.memory_space<vmem_shared>>
    tpu.enqueue_dma source(%arg9 : memref<16x128xf32, #tpu.memory_space<vmem>>) target(%dma_start3A_131 : memref<16x128xf32, #tpu.memory_space<vmem_shared>>) target_semaphore(%arg13 : memref<!tpu.dma_semaphore, #tpu.memory_space<semaphore_mem>>)
    %add3A_132 = arith.constant 240 : i32
    %add3A_133 = arith.addi %mul3A_2, %add3A_132 : i32
    %dma_start3A_134 = arith.constant 0 : i32
    %dma_start3A_135 = tpu.memref_slice %arg10[%add3A_133, %dma_start3A_134] : memref<10240x128xf32, #tpu.memory_space<vmem_shared>> -> memref<16x128xf32, #tpu.memory_space<vmem_shared>>
    %dma_start3A_136 = arith.constant 0 : i32
    %dma_start3A_137 = tpu.memref_slice %arg10[%add3A_133, %dma_start3A_136] : memref<10240x128xf32, #tpu.memory_space<vmem_shared>> -> memref<16x128xf32, #tpu.memory_space<vmem_shared>>
    tpu.enqueue_dma source(%arg9 : memref<16x128xf32, #tpu.memory_space<vmem>>) target(%dma_start3A_137 : memref<16x128xf32, #tpu.memory_space<vmem_shared>>) target_semaphore(%arg13 : memref<!tpu.dma_semaphore, #tpu.memory_space<semaphore_mem>>)
    %add3A_138 = arith.constant 256 : i32
    %add3A_139 = arith.addi %mul3A_2, %add3A_138 : i32
    %dma_start3A_140 = arith.constant 0 : i32
    %dma_start3A_141 = tpu.memref_slice %arg10[%add3A_139, %dma_start3A_140] : memref<10240x128xf32, #tpu.memory_space<vmem_shared>> -> memref<16x128xf32, #tpu.memory_space<vmem_shared>>
    %dma_start3A_142 = arith.constant 0 : i32
    %dma_start3A_143 = tpu.memref_slice %arg10[%add3A_139, %dma_start3A_142] : memref<10240x128xf32, #tpu.memory_space<vmem_shared>> -> memref<16x128xf32, #tpu.memory_space<vmem_shared>>
    tpu.enqueue_dma source(%arg9 : memref<16x128xf32, #tpu.memory_space<vmem>>) target(%dma_start3A_143 : memref<16x128xf32, #tpu.memory_space<vmem_shared>>) target_semaphore(%arg13 : memref<!tpu.dma_semaphore, #tpu.memory_space<semaphore_mem>>)
    %add3A_144 = arith.constant 272 : i32
    %add3A_145 = arith.addi %mul3A_2, %add3A_144 : i32
    %dma_start3A_146 = arith.constant 0 : i32
    %dma_start3A_147 = tpu.memref_slice %arg10[%add3A_145, %dma_start3A_146] : memref<10240x128xf32, #tpu.memory_space<vmem_shared>> -> memref<16x128xf32, #tpu.memory_space<vmem_shared>>
    %dma_start3A_148 = arith.constant 0 : i32
    %dma_start3A_149 = tpu.memref_slice %arg10[%add3A_145, %dma_start3A_148] : memref<10240x128xf32, #tpu.memory_space<vmem_shared>> -> memref<16x128xf32, #tpu.memory_space<vmem_shared>>
    tpu.enqueue_dma source(%arg9 : memref<16x128xf32, #tpu.memory_space<vmem>>) target(%dma_start3A_149 : memref<16x128xf32, #tpu.memory_space<vmem_shared>>) target_semaphore(%arg13 : memref<!tpu.dma_semaphore, #tpu.memory_space<semaphore_mem>>)
    %add3A_150 = arith.constant 288 : i32
    %add3A_151 = arith.addi %mul3A_2, %add3A_150 : i32
    %dma_start3A_152 = arith.constant 0 : i32
    %dma_start3A_153 = tpu.memref_slice %arg10[%add3A_151, %dma_start3A_152] : memref<10240x128xf32, #tpu.memory_space<vmem_shared>> -> memref<16x128xf32, #tpu.memory_space<vmem_shared>>
    %dma_start3A_154 = arith.constant 0 : i32
    %dma_start3A_155 = tpu.memref_slice %arg10[%add3A_151, %dma_start3A_154] : memref<10240x128xf32, #tpu.memory_space<vmem_shared>> -> memref<16x128xf32, #tpu.memory_space<vmem_shared>>
    tpu.enqueue_dma source(%arg9 : memref<16x128xf32, #tpu.memory_space<vmem>>) target(%dma_start3A_155 : memref<16x128xf32, #tpu.memory_space<vmem_shared>>) target_semaphore(%arg13 : memref<!tpu.dma_semaphore, #tpu.memory_space<semaphore_mem>>)
    %add3A_156 = arith.constant 304 : i32
    %add3A_157 = arith.addi %mul3A_2, %add3A_156 : i32
    %dma_start3A_158 = arith.constant 0 : i32
    %dma_start3A_159 = tpu.memref_slice %arg10[%add3A_157, %dma_start3A_158] : memref<10240x128xf32, #tpu.memory_space<vmem_shared>> -> memref<16x128xf32, #tpu.memory_space<vmem_shared>>
    %dma_start3A_160 = arith.constant 0 : i32
    %dma_start3A_161 = tpu.memref_slice %arg10[%add3A_157, %dma_start3A_160] : memref<10240x128xf32, #tpu.memory_space<vmem_shared>> -> memref<16x128xf32, #tpu.memory_space<vmem_shared>>
    tpu.enqueue_dma source(%arg9 : memref<16x128xf32, #tpu.memory_space<vmem>>) target(%dma_start3A_161 : memref<16x128xf32, #tpu.memory_space<vmem_shared>>) target_semaphore(%arg13 : memref<!tpu.dma_semaphore, #tpu.memory_space<semaphore_mem>>)
    %add3A_162 = arith.constant 320 : i32
    %add3A_163 = arith.addi %mul3A_2, %add3A_162 : i32
    %dma_start3A_164 = arith.constant 0 : i32
    %dma_start3A_165 = tpu.memref_slice %arg10[%add3A_163, %dma_start3A_164] : memref<10240x128xf32, #tpu.memory_space<vmem_shared>> -> memref<16x128xf32, #tpu.memory_space<vmem_shared>>
    %dma_start3A_166 = arith.constant 0 : i32
    %dma_start3A_167 = tpu.memref_slice %arg10[%add3A_163, %dma_start3A_166] : memref<10240x128xf32, #tpu.memory_space<vmem_shared>> -> memref<16x128xf32, #tpu.memory_space<vmem_shared>>
    tpu.enqueue_dma source(%arg9 : memref<16x128xf32, #tpu.memory_space<vmem>>) target(%dma_start3A_167 : memref<16x128xf32, #tpu.memory_space<vmem_shared>>) target_semaphore(%arg13 : memref<!tpu.dma_semaphore, #tpu.memory_space<semaphore_mem>>)
    %add3A_168 = arith.constant 336 : i32
    %add3A_169 = arith.addi %mul3A_2, %add3A_168 : i32
    %dma_start3A_170 = arith.constant 0 : i32
    %dma_start3A_171 = tpu.memref_slice %arg10[%add3A_169, %dma_start3A_170] : memref<10240x128xf32, #tpu.memory_space<vmem_shared>> -> memref<16x128xf32, #tpu.memory_space<vmem_shared>>
    %dma_start3A_172 = arith.constant 0 : i32
    %dma_start3A_173 = tpu.memref_slice %arg10[%add3A_169, %dma_start3A_172] : memref<10240x128xf32, #tpu.memory_space<vmem_shared>> -> memref<16x128xf32, #tpu.memory_space<vmem_shared>>
    tpu.enqueue_dma source(%arg9 : memref<16x128xf32, #tpu.memory_space<vmem>>) target(%dma_start3A_173 : memref<16x128xf32, #tpu.memory_space<vmem_shared>>) target_semaphore(%arg13 : memref<!tpu.dma_semaphore, #tpu.memory_space<semaphore_mem>>)
    %add3A_174 = arith.constant 352 : i32
    %add3A_175 = arith.addi %mul3A_2, %add3A_174 : i32
    %dma_start3A_176 = arith.constant 0 : i32
    %dma_start3A_177 = tpu.memref_slice %arg10[%add3A_175, %dma_start3A_176] : memref<10240x128xf32, #tpu.memory_space<vmem_shared>> -> memref<16x128xf32, #tpu.memory_space<vmem_shared>>
    %dma_start3A_178 = arith.constant 0 : i32
    %dma_start3A_179 = tpu.memref_slice %arg10[%add3A_175, %dma_start3A_178] : memref<10240x128xf32, #tpu.memory_space<vmem_shared>> -> memref<16x128xf32, #tpu.memory_space<vmem_shared>>
    tpu.enqueue_dma source(%arg9 : memref<16x128xf32, #tpu.memory_space<vmem>>) target(%dma_start3A_179 : memref<16x128xf32, #tpu.memory_space<vmem_shared>>) target_semaphore(%arg13 : memref<!tpu.dma_semaphore, #tpu.memory_space<semaphore_mem>>)
    %add3A_180 = arith.constant 368 : i32
    %add3A_181 = arith.addi %mul3A_2, %add3A_180 : i32
    %dma_start3A_182 = arith.constant 0 : i32
    %dma_start3A_183 = tpu.memref_slice %arg10[%add3A_181, %dma_start3A_182] : memref<10240x128xf32, #tpu.memory_space<vmem_shared>> -> memref<16x128xf32, #tpu.memory_space<vmem_shared>>
    %dma_start3A_184 = arith.constant 0 : i32
    %dma_start3A_185 = tpu.memref_slice %arg10[%add3A_181, %dma_start3A_184] : memref<10240x128xf32, #tpu.memory_space<vmem_shared>> -> memref<16x128xf32, #tpu.memory_space<vmem_shared>>
    tpu.enqueue_dma source(%arg9 : memref<16x128xf32, #tpu.memory_space<vmem>>) target(%dma_start3A_185 : memref<16x128xf32, #tpu.memory_space<vmem_shared>>) target_semaphore(%arg13 : memref<!tpu.dma_semaphore, #tpu.memory_space<semaphore_mem>>)
    %add3A_186 = arith.constant 384 : i32
    %add3A_187 = arith.addi %mul3A_2, %add3A_186 : i32
    %dma_start3A_188 = arith.constant 0 : i32
    %dma_start3A_189 = tpu.memref_slice %arg10[%add3A_187, %dma_start3A_188] : memref<10240x128xf32, #tpu.memory_space<vmem_shared>> -> memref<16x128xf32, #tpu.memory_space<vmem_shared>>
    %dma_start3A_190 = arith.constant 0 : i32
    %dma_start3A_191 = tpu.memref_slice %arg10[%add3A_187, %dma_start3A_190] : memref<10240x128xf32, #tpu.memory_space<vmem_shared>> -> memref<16x128xf32, #tpu.memory_space<vmem_shared>>
    tpu.enqueue_dma source(%arg9 : memref<16x128xf32, #tpu.memory_space<vmem>>) target(%dma_start3A_191 : memref<16x128xf32, #tpu.memory_space<vmem_shared>>) target_semaphore(%arg13 : memref<!tpu.dma_semaphore, #tpu.memory_space<semaphore_mem>>)
    %add3A_192 = arith.constant 400 : i32
    %add3A_193 = arith.addi %mul3A_2, %add3A_192 : i32
    %dma_start3A_194 = arith.constant 0 : i32
    %dma_start3A_195 = tpu.memref_slice %arg10[%add3A_193, %dma_start3A_194] : memref<10240x128xf32, #tpu.memory_space<vmem_shared>> -> memref<16x128xf32, #tpu.memory_space<vmem_shared>>
    %dma_start3A_196 = arith.constant 0 : i32
    %dma_start3A_197 = tpu.memref_slice %arg10[%add3A_193, %dma_start3A_196] : memref<10240x128xf32, #tpu.memory_space<vmem_shared>> -> memref<16x128xf32, #tpu.memory_space<vmem_shared>>
    tpu.enqueue_dma source(%arg9 : memref<16x128xf32, #tpu.memory_space<vmem>>) target(%dma_start3A_197 : memref<16x128xf32, #tpu.memory_space<vmem_shared>>) target_semaphore(%arg13 : memref<!tpu.dma_semaphore, #tpu.memory_space<semaphore_mem>>)
    %add3A_198 = arith.constant 416 : i32
    %add3A_199 = arith.addi %mul3A_2, %add3A_198 : i32
    %dma_start3A_200 = arith.constant 0 : i32
    %dma_start3A_201 = tpu.memref_slice %arg10[%add3A_199, %dma_start3A_200] : memref<10240x128xf32, #tpu.memory_space<vmem_shared>> -> memref<16x128xf32, #tpu.memory_space<vmem_shared>>
    %dma_start3A_202 = arith.constant 0 : i32
    %dma_start3A_203 = tpu.memref_slice %arg10[%add3A_199, %dma_start3A_202] : memref<10240x128xf32, #tpu.memory_space<vmem_shared>> -> memref<16x128xf32, #tpu.memory_space<vmem_shared>>
    tpu.enqueue_dma source(%arg9 : memref<16x128xf32, #tpu.memory_space<vmem>>) target(%dma_start3A_203 : memref<16x128xf32, #tpu.memory_space<vmem_shared>>) target_semaphore(%arg13 : memref<!tpu.dma_semaphore, #tpu.memory_space<semaphore_mem>>)
    %add3A_204 = arith.constant 432 : i32
    %add3A_205 = arith.addi %mul3A_2, %add3A_204 : i32
    %dma_start3A_206 = arith.constant 0 : i32
    %dma_start3A_207 = tpu.memref_slice %arg10[%add3A_205, %dma_start3A_206] : memref<10240x128xf32, #tpu.memory_space<vmem_shared>> -> memref<16x128xf32, #tpu.memory_space<vmem_shared>>
    %dma_start3A_208 = arith.constant 0 : i32
    %dma_start3A_209 = tpu.memref_slice %arg10[%add3A_205, %dma_start3A_208] : memref<10240x128xf32, #tpu.memory_space<vmem_shared>> -> memref<16x128xf32, #tpu.memory_space<vmem_shared>>
    tpu.enqueue_dma source(%arg9 : memref<16x128xf32, #tpu.memory_space<vmem>>) target(%dma_start3A_209 : memref<16x128xf32, #tpu.memory_space<vmem_shared>>) target_semaphore(%arg13 : memref<!tpu.dma_semaphore, #tpu.memory_space<semaphore_mem>>)
    %add3A_210 = arith.constant 448 : i32
    %add3A_211 = arith.addi %mul3A_2, %add3A_210 : i32
    %dma_start3A_212 = arith.constant 0 : i32
    %dma_start3A_213 = tpu.memref_slice %arg10[%add3A_211, %dma_start3A_212] : memref<10240x128xf32, #tpu.memory_space<vmem_shared>> -> memref<16x128xf32, #tpu.memory_space<vmem_shared>>
    %dma_start3A_214 = arith.constant 0 : i32
    %dma_start3A_215 = tpu.memref_slice %arg10[%add3A_211, %dma_start3A_214] : memref<10240x128xf32, #tpu.memory_space<vmem_shared>> -> memref<16x128xf32, #tpu.memory_space<vmem_shared>>
    tpu.enqueue_dma source(%arg9 : memref<16x128xf32, #tpu.memory_space<vmem>>) target(%dma_start3A_215 : memref<16x128xf32, #tpu.memory_space<vmem_shared>>) target_semaphore(%arg13 : memref<!tpu.dma_semaphore, #tpu.memory_space<semaphore_mem>>)
    %add3A_216 = arith.constant 464 : i32
    %add3A_217 = arith.addi %mul3A_2, %add3A_216 : i32
    %dma_start3A_218 = arith.constant 0 : i32
    %dma_start3A_219 = tpu.memref_slice %arg10[%add3A_217, %dma_start3A_218] : memref<10240x128xf32, #tpu.memory_space<vmem_shared>> -> memref<16x128xf32, #tpu.memory_space<vmem_shared>>
    %dma_start3A_220 = arith.constant 0 : i32
    %dma_start3A_221 = tpu.memref_slice %arg10[%add3A_217, %dma_start3A_220] : memref<10240x128xf32, #tpu.memory_space<vmem_shared>> -> memref<16x128xf32, #tpu.memory_space<vmem_shared>>
    tpu.enqueue_dma source(%arg9 : memref<16x128xf32, #tpu.memory_space<vmem>>) target(%dma_start3A_221 : memref<16x128xf32, #tpu.memory_space<vmem_shared>>) target_semaphore(%arg13 : memref<!tpu.dma_semaphore, #tpu.memory_space<semaphore_mem>>)
    %add3A_222 = arith.constant 480 : i32
    %add3A_223 = arith.addi %mul3A_2, %add3A_222 : i32
    %dma_start3A_224 = arith.constant 0 : i32
    %dma_start3A_225 = tpu.memref_slice %arg10[%add3A_223, %dma_start3A_224] : memref<10240x128xf32, #tpu.memory_space<vmem_shared>> -> memref<16x128xf32, #tpu.memory_space<vmem_shared>>
    %dma_start3A_226 = arith.constant 0 : i32
    %dma_start3A_227 = tpu.memref_slice %arg10[%add3A_223, %dma_start3A_226] : memref<10240x128xf32, #tpu.memory_space<vmem_shared>> -> memref<16x128xf32, #tpu.memory_space<vmem_shared>>
    tpu.enqueue_dma source(%arg9 : memref<16x128xf32, #tpu.memory_space<vmem>>) target(%dma_start3A_227 : memref<16x128xf32, #tpu.memory_space<vmem_shared>>) target_semaphore(%arg13 : memref<!tpu.dma_semaphore, #tpu.memory_space<semaphore_mem>>)
    %add3A_228 = arith.constant 496 : i32
    %add3A_229 = arith.addi %mul3A_2, %add3A_228 : i32
    %dma_start3A_230 = arith.constant 0 : i32
    %dma_start3A_231 = tpu.memref_slice %arg10[%add3A_229, %dma_start3A_230] : memref<10240x128xf32, #tpu.memory_space<vmem_shared>> -> memref<16x128xf32, #tpu.memory_space<vmem_shared>>
    %dma_start3A_232 = arith.constant 0 : i32
    %dma_start3A_233 = tpu.memref_slice %arg10[%add3A_229, %dma_start3A_232] : memref<10240x128xf32, #tpu.memory_space<vmem_shared>> -> memref<16x128xf32, #tpu.memory_space<vmem_shared>>
    tpu.enqueue_dma source(%arg9 : memref<16x128xf32, #tpu.memory_space<vmem>>) target(%dma_start3A_233 : memref<16x128xf32, #tpu.memory_space<vmem_shared>>) target_semaphore(%arg13 : memref<!tpu.dma_semaphore, #tpu.memory_space<semaphore_mem>>)
    %add3A_234 = arith.constant 512 : i32
    %add3A_235 = arith.addi %mul3A_2, %add3A_234 : i32
    %dma_start3A_236 = arith.constant 0 : i32
    %dma_start3A_237 = tpu.memref_slice %arg10[%add3A_235, %dma_start3A_236] : memref<10240x128xf32, #tpu.memory_space<vmem_shared>> -> memref<16x128xf32, #tpu.memory_space<vmem_shared>>
    %dma_start3A_238 = arith.constant 0 : i32
    %dma_start3A_239 = tpu.memref_slice %arg10[%add3A_235, %dma_start3A_238] : memref<10240x128xf32, #tpu.memory_space<vmem_shared>> -> memref<16x128xf32, #tpu.memory_space<vmem_shared>>
    tpu.enqueue_dma source(%arg9 : memref<16x128xf32, #tpu.memory_space<vmem>>) target(%dma_start3A_239 : memref<16x128xf32, #tpu.memory_space<vmem_shared>>) target_semaphore(%arg13 : memref<!tpu.dma_semaphore, #tpu.memory_space<semaphore_mem>>)
    %add3A_240 = arith.constant 528 : i32
    %add3A_241 = arith.addi %mul3A_2, %add3A_240 : i32
    %dma_start3A_242 = arith.constant 0 : i32
    %dma_start3A_243 = tpu.memref_slice %arg10[%add3A_241, %dma_start3A_242] : memref<10240x128xf32, #tpu.memory_space<vmem_shared>> -> memref<16x128xf32, #tpu.memory_space<vmem_shared>>
    %dma_start3A_244 = arith.constant 0 : i32
    %dma_start3A_245 = tpu.memref_slice %arg10[%add3A_241, %dma_start3A_244] : memref<10240x128xf32, #tpu.memory_space<vmem_shared>> -> memref<16x128xf32, #tpu.memory_space<vmem_shared>>
    tpu.enqueue_dma source(%arg9 : memref<16x128xf32, #tpu.memory_space<vmem>>) target(%dma_start3A_245 : memref<16x128xf32, #tpu.memory_space<vmem_shared>>) target_semaphore(%arg13 : memref<!tpu.dma_semaphore, #tpu.memory_space<semaphore_mem>>)
    %add3A_246 = arith.constant 544 : i32
    %add3A_247 = arith.addi %mul3A_2, %add3A_246 : i32
    %dma_start3A_248 = arith.constant 0 : i32
    %dma_start3A_249 = tpu.memref_slice %arg10[%add3A_247, %dma_start3A_248] : memref<10240x128xf32, #tpu.memory_space<vmem_shared>> -> memref<16x128xf32, #tpu.memory_space<vmem_shared>>
    %dma_start3A_250 = arith.constant 0 : i32
    %dma_start3A_251 = tpu.memref_slice %arg10[%add3A_247, %dma_start3A_250] : memref<10240x128xf32, #tpu.memory_space<vmem_shared>> -> memref<16x128xf32, #tpu.memory_space<vmem_shared>>
    tpu.enqueue_dma source(%arg9 : memref<16x128xf32, #tpu.memory_space<vmem>>) target(%dma_start3A_251 : memref<16x128xf32, #tpu.memory_space<vmem_shared>>) target_semaphore(%arg13 : memref<!tpu.dma_semaphore, #tpu.memory_space<semaphore_mem>>)
    %add3A_252 = arith.constant 560 : i32
    %add3A_253 = arith.addi %mul3A_2, %add3A_252 : i32
    %dma_start3A_254 = arith.constant 0 : i32
    %dma_start3A_255 = tpu.memref_slice %arg10[%add3A_253, %dma_start3A_254] : memref<10240x128xf32, #tpu.memory_space<vmem_shared>> -> memref<16x128xf32, #tpu.memory_space<vmem_shared>>
    %dma_start3A_256 = arith.constant 0 : i32
    %dma_start3A_257 = tpu.memref_slice %arg10[%add3A_253, %dma_start3A_256] : memref<10240x128xf32, #tpu.memory_space<vmem_shared>> -> memref<16x128xf32, #tpu.memory_space<vmem_shared>>
    tpu.enqueue_dma source(%arg9 : memref<16x128xf32, #tpu.memory_space<vmem>>) target(%dma_start3A_257 : memref<16x128xf32, #tpu.memory_space<vmem_shared>>) target_semaphore(%arg13 : memref<!tpu.dma_semaphore, #tpu.memory_space<semaphore_mem>>)
    %add3A_258 = arith.constant 576 : i32
    %add3A_259 = arith.addi %mul3A_2, %add3A_258 : i32
    %dma_start3A_260 = arith.constant 0 : i32
    %dma_start3A_261 = tpu.memref_slice %arg10[%add3A_259, %dma_start3A_260] : memref<10240x128xf32, #tpu.memory_space<vmem_shared>> -> memref<16x128xf32, #tpu.memory_space<vmem_shared>>
    %dma_start3A_262 = arith.constant 0 : i32
    %dma_start3A_263 = tpu.memref_slice %arg10[%add3A_259, %dma_start3A_262] : memref<10240x128xf32, #tpu.memory_space<vmem_shared>> -> memref<16x128xf32, #tpu.memory_space<vmem_shared>>
    tpu.enqueue_dma source(%arg9 : memref<16x128xf32, #tpu.memory_space<vmem>>) target(%dma_start3A_263 : memref<16x128xf32, #tpu.memory_space<vmem_shared>>) target_semaphore(%arg13 : memref<!tpu.dma_semaphore, #tpu.memory_space<semaphore_mem>>)
    %add3A_264 = arith.constant 592 : i32
    %add3A_265 = arith.addi %mul3A_2, %add3A_264 : i32
    %dma_start3A_266 = arith.constant 0 : i32
    %dma_start3A_267 = tpu.memref_slice %arg10[%add3A_265, %dma_start3A_266] : memref<10240x128xf32, #tpu.memory_space<vmem_shared>> -> memref<16x128xf32, #tpu.memory_space<vmem_shared>>
    %dma_start3A_268 = arith.constant 0 : i32
    %dma_start3A_269 = tpu.memref_slice %arg10[%add3A_265, %dma_start3A_268] : memref<10240x128xf32, #tpu.memory_space<vmem_shared>> -> memref<16x128xf32, #tpu.memory_space<vmem_shared>>
    tpu.enqueue_dma source(%arg9 : memref<16x128xf32, #tpu.memory_space<vmem>>) target(%dma_start3A_269 : memref<16x128xf32, #tpu.memory_space<vmem_shared>>) target_semaphore(%arg13 : memref<!tpu.dma_semaphore, #tpu.memory_space<semaphore_mem>>)
    %add3A_270 = arith.constant 608 : i32
    %add3A_271 = arith.addi %mul3A_2, %add3A_270 : i32
    %dma_start3A_272 = arith.constant 0 : i32
    %dma_start3A_273 = tpu.memref_slice %arg10[%add3A_271, %dma_start3A_272] : memref<10240x128xf32, #tpu.memory_space<vmem_shared>> -> memref<16x128xf32, #tpu.memory_space<vmem_shared>>
    %dma_start3A_274 = arith.constant 0 : i32
    %dma_start3A_275 = tpu.memref_slice %arg10[%add3A_271, %dma_start3A_274] : memref<10240x128xf32, #tpu.memory_space<vmem_shared>> -> memref<16x128xf32, #tpu.memory_space<vmem_shared>>
    tpu.enqueue_dma source(%arg9 : memref<16x128xf32, #tpu.memory_space<vmem>>) target(%dma_start3A_275 : memref<16x128xf32, #tpu.memory_space<vmem_shared>>) target_semaphore(%arg13 : memref<!tpu.dma_semaphore, #tpu.memory_space<semaphore_mem>>)
    %add3A_276 = arith.constant 624 : i32
    %add3A_277 = arith.addi %mul3A_2, %add3A_276 : i32
    %dma_start3A_278 = arith.constant 0 : i32
    %dma_start3A_279 = tpu.memref_slice %arg10[%add3A_277, %dma_start3A_278] : memref<10240x128xf32, #tpu.memory_space<vmem_shared>> -> memref<16x128xf32, #tpu.memory_space<vmem_shared>>
    %dma_start3A_280 = arith.constant 0 : i32
    %dma_start3A_281 = tpu.memref_slice %arg10[%add3A_277, %dma_start3A_280] : memref<10240x128xf32, #tpu.memory_space<vmem_shared>> -> memref<16x128xf32, #tpu.memory_space<vmem_shared>>
    tpu.enqueue_dma source(%arg9 : memref<16x128xf32, #tpu.memory_space<vmem>>) target(%dma_start3A_281 : memref<16x128xf32, #tpu.memory_space<vmem_shared>>) target_semaphore(%arg13 : memref<!tpu.dma_semaphore, #tpu.memory_space<semaphore_mem>>)
    %dma_wait3A = arith.constant 0 : i32
    %dma_wait3A_282 = tpu.memref_slice %arg10[%mul3A_2, %dma_wait3A] : memref<10240x128xf32, #tpu.memory_space<vmem_shared>> -> memref<16x128xf32, #tpu.memory_space<vmem_shared>>
    %dma_wait3A_283 = arith.constant 0 : i32
    %dma_wait3A_284 = tpu.memref_slice %arg10[%mul3A_2, %dma_wait3A_283] : memref<10240x128xf32, #tpu.memory_space<vmem_shared>> -> memref<16x128xf32, #tpu.memory_space<vmem_shared>>
    tpu.wait_dma2 semaphore(%arg13 : memref<!tpu.dma_semaphore, #tpu.memory_space<semaphore_mem>>) src(%arg9 : memref<16x128xf32, #tpu.memory_space<vmem>>) dst(%dma_wait3A_284 : memref<16x128xf32, #tpu.memory_space<vmem_shared>>)
    %dma_wait3A_285 = arith.constant 0 : i32
    %dma_wait3A_286 = tpu.memref_slice %arg10[%mul3A_2, %dma_wait3A_285] : memref<10240x128xf32, #tpu.memory_space<vmem_shared>> -> memref<16x128xf32, #tpu.memory_space<vmem_shared>>
    %dma_wait3A_287 = arith.constant 0 : i32
    %dma_wait3A_288 = tpu.memref_slice %arg10[%mul3A_2, %dma_wait3A_287] : memref<10240x128xf32, #tpu.memory_space<vmem_shared>> -> memref<16x128xf32, #tpu.memory_space<vmem_shared>>
    tpu.wait_dma2 semaphore(%arg13 : memref<!tpu.dma_semaphore, #tpu.memory_space<semaphore_mem>>) src(%arg9 : memref<16x128xf32, #tpu.memory_space<vmem>>) dst(%dma_wait3A_288 : memref<16x128xf32, #tpu.memory_space<vmem_shared>>)
    %dma_wait3A_289 = arith.constant 0 : i32
    %dma_wait3A_290 = tpu.memref_slice %arg10[%mul3A_2, %dma_wait3A_289] : memref<10240x128xf32, #tpu.memory_space<vmem_shared>> -> memref<16x128xf32, #tpu.memory_space<vmem_shared>>
    %dma_wait3A_291 = arith.constant 0 : i32
    %dma_wait3A_292 = tpu.memref_slice %arg10[%mul3A_2, %dma_wait3A_291] : memref<10240x128xf32, #tpu.memory_space<vmem_shared>> -> memref<16x128xf32, #tpu.memory_space<vmem_shared>>
    tpu.wait_dma2 semaphore(%arg13 : memref<!tpu.dma_semaphore, #tpu.memory_space<semaphore_mem>>) src(%arg9 : memref<16x128xf32, #tpu.memory_space<vmem>>) dst(%dma_wait3A_292 : memref<16x128xf32, #tpu.memory_space<vmem_shared>>)
    %dma_wait3A_293 = arith.constant 0 : i32
    %dma_wait3A_294 = tpu.memref_slice %arg10[%mul3A_2, %dma_wait3A_293] : memref<10240x128xf32, #tpu.memory_space<vmem_shared>> -> memref<16x128xf32, #tpu.memory_space<vmem_shared>>
    %dma_wait3A_295 = arith.constant 0 : i32
    %dma_wait3A_296 = tpu.memref_slice %arg10[%mul3A_2, %dma_wait3A_295] : memref<10240x128xf32, #tpu.memory_space<vmem_shared>> -> memref<16x128xf32, #tpu.memory_space<vmem_shared>>
    tpu.wait_dma2 semaphore(%arg13 : memref<!tpu.dma_semaphore, #tpu.memory_space<semaphore_mem>>) src(%arg9 : memref<16x128xf32, #tpu.memory_space<vmem>>) dst(%dma_wait3A_296 : memref<16x128xf32, #tpu.memory_space<vmem_shared>>)
    %dma_wait3A_297 = arith.constant 0 : i32
    %dma_wait3A_298 = tpu.memref_slice %arg10[%mul3A_2, %dma_wait3A_297] : memref<10240x128xf32, #tpu.memory_space<vmem_shared>> -> memref<16x128xf32, #tpu.memory_space<vmem_shared>>
    %dma_wait3A_299 = arith.constant 0 : i32
    %dma_wait3A_300 = tpu.memref_slice %arg10[%mul3A_2, %dma_wait3A_299] : memref<10240x128xf32, #tpu.memory_space<vmem_shared>> -> memref<16x128xf32, #tpu.memory_space<vmem_shared>>
    tpu.wait_dma2 semaphore(%arg13 : memref<!tpu.dma_semaphore, #tpu.memory_space<semaphore_mem>>) src(%arg9 : memref<16x128xf32, #tpu.memory_space<vmem>>) dst(%dma_wait3A_300 : memref<16x128xf32, #tpu.memory_space<vmem_shared>>)
    %dma_wait3A_301 = arith.constant 0 : i32
    %dma_wait3A_302 = tpu.memref_slice %arg10[%mul3A_2, %dma_wait3A_301] : memref<10240x128xf32, #tpu.memory_space<vmem_shared>> -> memref<16x128xf32, #tpu.memory_space<vmem_shared>>
    %dma_wait3A_303 = arith.constant 0 : i32
    %dma_wait3A_304 = tpu.memref_slice %arg10[%mul3A_2, %dma_wait3A_303] : memref<10240x128xf32, #tpu.memory_space<vmem_shared>> -> memref<16x128xf32, #tpu.memory_space<vmem_shared>>
    tpu.wait_dma2 semaphore(%arg13 : memref<!tpu.dma_semaphore, #tpu.memory_space<semaphore_mem>>) src(%arg9 : memref<16x128xf32, #tpu.memory_space<vmem>>) dst(%dma_wait3A_304 : memref<16x128xf32, #tpu.memory_space<vmem_shared>>)
    %dma_wait3A_305 = arith.constant 0 : i32
    %dma_wait3A_306 = tpu.memref_slice %arg10[%mul3A_2, %dma_wait3A_305] : memref<10240x128xf32, #tpu.memory_space<vmem_shared>> -> memref<16x128xf32, #tpu.memory_space<vmem_shared>>
    %dma_wait3A_307 = arith.constant 0 : i32
    %dma_wait3A_308 = tpu.memref_slice %arg10[%mul3A_2, %dma_wait3A_307] : memref<10240x128xf32, #tpu.memory_space<vmem_shared>> -> memref<16x128xf32, #tpu.memory_space<vmem_shared>>
    tpu.wait_dma2 semaphore(%arg13 : memref<!tpu.dma_semaphore, #tpu.memory_space<semaphore_mem>>) src(%arg9 : memref<16x128xf32, #tpu.memory_space<vmem>>) dst(%dma_wait3A_308 : memref<16x128xf32, #tpu.memory_space<vmem_shared>>)
    %dma_wait3A_309 = arith.constant 0 : i32
    %dma_wait3A_310 = tpu.memref_slice %arg10[%mul3A_2, %dma_wait3A_309] : memref<10240x128xf32, #tpu.memory_space<vmem_shared>> -> memref<16x128xf32, #tpu.memory_space<vmem_shared>>
    %dma_wait3A_311 = arith.constant 0 : i32
    %dma_wait3A_312 = tpu.memref_slice %arg10[%mul3A_2, %dma_wait3A_311] : memref<10240x128xf32, #tpu.memory_space<vmem_shared>> -> memref<16x128xf32, #tpu.memory_space<vmem_shared>>
    tpu.wait_dma2 semaphore(%arg13 : memref<!tpu.dma_semaphore, #tpu.memory_space<semaphore_mem>>) src(%arg9 : memref<16x128xf32, #tpu.memory_space<vmem>>) dst(%dma_wait3A_312 : memref<16x128xf32, #tpu.memory_space<vmem_shared>>)
    %dma_wait3A_313 = arith.constant 0 : i32
    %dma_wait3A_314 = tpu.memref_slice %arg10[%mul3A_2, %dma_wait3A_313] : memref<10240x128xf32, #tpu.memory_space<vmem_shared>> -> memref<16x128xf32, #tpu.memory_space<vmem_shared>>
    %dma_wait3A_315 = arith.constant 0 : i32
    %dma_wait3A_316 = tpu.memref_slice %arg10[%mul3A_2, %dma_wait3A_315] : memref<10240x128xf32, #tpu.memory_space<vmem_shared>> -> memref<16x128xf32, #tpu.memory_space<vmem_shared>>
    tpu.wait_dma2 semaphore(%arg13 : memref<!tpu.dma_semaphore, #tpu.memory_space<semaphore_mem>>) src(%arg9 : memref<16x128xf32, #tpu.memory_space<vmem>>) dst(%dma_wait3A_316 : memref<16x128xf32, #tpu.memory_space<vmem_shared>>)
    %dma_wait3A_317 = arith.constant 0 : i32
    %dma_wait3A_318 = tpu.memref_slice %arg10[%mul3A_2, %dma_wait3A_317] : memref<10240x128xf32, #tpu.memory_space<vmem_shared>> -> memref<16x128xf32, #tpu.memory_space<vmem_shared>>
    %dma_wait3A_319 = arith.constant 0 : i32
    %dma_wait3A_320 = tpu.memref_slice %arg10[%mul3A_2, %dma_wait3A_319] : memref<10240x128xf32, #tpu.memory_space<vmem_shared>> -> memref<16x128xf32, #tpu.memory_space<vmem_shared>>
    tpu.wait_dma2 semaphore(%arg13 : memref<!tpu.dma_semaphore, #tpu.memory_space<semaphore_mem>>) src(%arg9 : memref<16x128xf32, #tpu.memory_space<vmem>>) dst(%dma_wait3A_320 : memref<16x128xf32, #tpu.memory_space<vmem_shared>>)
    %dma_wait3A_321 = arith.constant 0 : i32
    %dma_wait3A_322 = tpu.memref_slice %arg10[%mul3A_2, %dma_wait3A_321] : memref<10240x128xf32, #tpu.memory_space<vmem_shared>> -> memref<16x128xf32, #tpu.memory_space<vmem_shared>>
    %dma_wait3A_323 = arith.constant 0 : i32
    %dma_wait3A_324 = tpu.memref_slice %arg10[%mul3A_2, %dma_wait3A_323] : memref<10240x128xf32, #tpu.memory_space<vmem_shared>> -> memref<16x128xf32, #tpu.memory_space<vmem_shared>>
    tpu.wait_dma2 semaphore(%arg13 : memref<!tpu.dma_semaphore, #tpu.memory_space<semaphore_mem>>) src(%arg9 : memref<16x128xf32, #tpu.memory_space<vmem>>) dst(%dma_wait3A_324 : memref<16x128xf32, #tpu.memory_space<vmem_shared>>)
    %dma_wait3A_325 = arith.constant 0 : i32
    %dma_wait3A_326 = tpu.memref_slice %arg10[%mul3A_2, %dma_wait3A_325] : memref<10240x128xf32, #tpu.memory_space<vmem_shared>> -> memref<16x128xf32, #tpu.memory_space<vmem_shared>>
    %dma_wait3A_327 = arith.constant 0 : i32
    %dma_wait3A_328 = tpu.memref_slice %arg10[%mul3A_2, %dma_wait3A_327] : memref<10240x128xf32, #tpu.memory_space<vmem_shared>> -> memref<16x128xf32, #tpu.memory_space<vmem_shared>>
    tpu.wait_dma2 semaphore(%arg13 : memref<!tpu.dma_semaphore, #tpu.memory_space<semaphore_mem>>) src(%arg9 : memref<16x128xf32, #tpu.memory_space<vmem>>) dst(%dma_wait3A_328 : memref<16x128xf32, #tpu.memory_space<vmem_shared>>)
    %dma_wait3A_329 = arith.constant 0 : i32
    %dma_wait3A_330 = tpu.memref_slice %arg10[%mul3A_2, %dma_wait3A_329] : memref<10240x128xf32, #tpu.memory_space<vmem_shared>> -> memref<16x128xf32, #tpu.memory_space<vmem_shared>>
    %dma_wait3A_331 = arith.constant 0 : i32
    %dma_wait3A_332 = tpu.memref_slice %arg10[%mul3A_2, %dma_wait3A_331] : memref<10240x128xf32, #tpu.memory_space<vmem_shared>> -> memref<16x128xf32, #tpu.memory_space<vmem_shared>>
    tpu.wait_dma2 semaphore(%arg13 : memref<!tpu.dma_semaphore, #tpu.memory_space<semaphore_mem>>) src(%arg9 : memref<16x128xf32, #tpu.memory_space<vmem>>) dst(%dma_wait3A_332 : memref<16x128xf32, #tpu.memory_space<vmem_shared>>)
    %dma_wait3A_333 = arith.constant 0 : i32
    %dma_wait3A_334 = tpu.memref_slice %arg10[%mul3A_2, %dma_wait3A_333] : memref<10240x128xf32, #tpu.memory_space<vmem_shared>> -> memref<16x128xf32, #tpu.memory_space<vmem_shared>>
    %dma_wait3A_335 = arith.constant 0 : i32
    %dma_wait3A_336 = tpu.memref_slice %arg10[%mul3A_2, %dma_wait3A_335] : memref<10240x128xf32, #tpu.memory_space<vmem_shared>> -> memref<16x128xf32, #tpu.memory_space<vmem_shared>>
    tpu.wait_dma2 semaphore(%arg13 : memref<!tpu.dma_semaphore, #tpu.memory_space<semaphore_mem>>) src(%arg9 : memref<16x128xf32, #tpu.memory_space<vmem>>) dst(%dma_wait3A_336 : memref<16x128xf32, #tpu.memory_space<vmem_shared>>)
    %dma_wait3A_337 = arith.constant 0 : i32
    %dma_wait3A_338 = tpu.memref_slice %arg10[%mul3A_2, %dma_wait3A_337] : memref<10240x128xf32, #tpu.memory_space<vmem_shared>> -> memref<16x128xf32, #tpu.memory_space<vmem_shared>>
    %dma_wait3A_339 = arith.constant 0 : i32
    %dma_wait3A_340 = tpu.memref_slice %arg10[%mul3A_2, %dma_wait3A_339] : memref<10240x128xf32, #tpu.memory_space<vmem_shared>> -> memref<16x128xf32, #tpu.memory_space<vmem_shared>>
    tpu.wait_dma2 semaphore(%arg13 : memref<!tpu.dma_semaphore, #tpu.memory_space<semaphore_mem>>) src(%arg9 : memref<16x128xf32, #tpu.memory_space<vmem>>) dst(%dma_wait3A_340 : memref<16x128xf32, #tpu.memory_space<vmem_shared>>)
    %dma_wait3A_341 = arith.constant 0 : i32
    %dma_wait3A_342 = tpu.memref_slice %arg10[%mul3A_2, %dma_wait3A_341] : memref<10240x128xf32, #tpu.memory_space<vmem_shared>> -> memref<16x128xf32, #tpu.memory_space<vmem_shared>>
    %dma_wait3A_343 = arith.constant 0 : i32
    %dma_wait3A_344 = tpu.memref_slice %arg10[%mul3A_2, %dma_wait3A_343] : memref<10240x128xf32, #tpu.memory_space<vmem_shared>> -> memref<16x128xf32, #tpu.memory_space<vmem_shared>>
    tpu.wait_dma2 semaphore(%arg13 : memref<!tpu.dma_semaphore, #tpu.memory_space<semaphore_mem>>) src(%arg9 : memref<16x128xf32, #tpu.memory_space<vmem>>) dst(%dma_wait3A_344 : memref<16x128xf32, #tpu.memory_space<vmem_shared>>)
    %dma_wait3A_345 = arith.constant 0 : i32
    %dma_wait3A_346 = tpu.memref_slice %arg10[%mul3A_2, %dma_wait3A_345] : memref<10240x128xf32, #tpu.memory_space<vmem_shared>> -> memref<16x128xf32, #tpu.memory_space<vmem_shared>>
    %dma_wait3A_347 = arith.constant 0 : i32
    %dma_wait3A_348 = tpu.memref_slice %arg10[%mul3A_2, %dma_wait3A_347] : memref<10240x128xf32, #tpu.memory_space<vmem_shared>> -> memref<16x128xf32, #tpu.memory_space<vmem_shared>>
    tpu.wait_dma2 semaphore(%arg13 : memref<!tpu.dma_semaphore, #tpu.memory_space<semaphore_mem>>) src(%arg9 : memref<16x128xf32, #tpu.memory_space<vmem>>) dst(%dma_wait3A_348 : memref<16x128xf32, #tpu.memory_space<vmem_shared>>)
    %dma_wait3A_349 = arith.constant 0 : i32
    %dma_wait3A_350 = tpu.memref_slice %arg10[%mul3A_2, %dma_wait3A_349] : memref<10240x128xf32, #tpu.memory_space<vmem_shared>> -> memref<16x128xf32, #tpu.memory_space<vmem_shared>>
    %dma_wait3A_351 = arith.constant 0 : i32
    %dma_wait3A_352 = tpu.memref_slice %arg10[%mul3A_2, %dma_wait3A_351] : memref<10240x128xf32, #tpu.memory_space<vmem_shared>> -> memref<16x128xf32, #tpu.memory_space<vmem_shared>>
    tpu.wait_dma2 semaphore(%arg13 : memref<!tpu.dma_semaphore, #tpu.memory_space<semaphore_mem>>) src(%arg9 : memref<16x128xf32, #tpu.memory_space<vmem>>) dst(%dma_wait3A_352 : memref<16x128xf32, #tpu.memory_space<vmem_shared>>)
    %dma_wait3A_353 = arith.constant 0 : i32
    %dma_wait3A_354 = tpu.memref_slice %arg10[%mul3A_2, %dma_wait3A_353] : memref<10240x128xf32, #tpu.memory_space<vmem_shared>> -> memref<16x128xf32, #tpu.memory_space<vmem_shared>>
    %dma_wait3A_355 = arith.constant 0 : i32
    %dma_wait3A_356 = tpu.memref_slice %arg10[%mul3A_2, %dma_wait3A_355] : memref<10240x128xf32, #tpu.memory_space<vmem_shared>> -> memref<16x128xf32, #tpu.memory_space<vmem_shared>>
    tpu.wait_dma2 semaphore(%arg13 : memref<!tpu.dma_semaphore, #tpu.memory_space<semaphore_mem>>) src(%arg9 : memref<16x128xf32, #tpu.memory_space<vmem>>) dst(%dma_wait3A_356 : memref<16x128xf32, #tpu.memory_space<vmem_shared>>)
    %dma_wait3A_357 = arith.constant 0 : i32
    %dma_wait3A_358 = tpu.memref_slice %arg10[%mul3A_2, %dma_wait3A_357] : memref<10240x128xf32, #tpu.memory_space<vmem_shared>> -> memref<16x128xf32, #tpu.memory_space<vmem_shared>>
    %dma_wait3A_359 = arith.constant 0 : i32
    %dma_wait3A_360 = tpu.memref_slice %arg10[%mul3A_2, %dma_wait3A_359] : memref<10240x128xf32, #tpu.memory_space<vmem_shared>> -> memref<16x128xf32, #tpu.memory_space<vmem_shared>>
    tpu.wait_dma2 semaphore(%arg13 : memref<!tpu.dma_semaphore, #tpu.memory_space<semaphore_mem>>) src(%arg9 : memref<16x128xf32, #tpu.memory_space<vmem>>) dst(%dma_wait3A_360 : memref<16x128xf32, #tpu.memory_space<vmem_shared>>)
    %dma_wait3A_361 = arith.constant 0 : i32
    %dma_wait3A_362 = tpu.memref_slice %arg10[%mul3A_2, %dma_wait3A_361] : memref<10240x128xf32, #tpu.memory_space<vmem_shared>> -> memref<16x128xf32, #tpu.memory_space<vmem_shared>>
    %dma_wait3A_363 = arith.constant 0 : i32
    %dma_wait3A_364 = tpu.memref_slice %arg10[%mul3A_2, %dma_wait3A_363] : memref<10240x128xf32, #tpu.memory_space<vmem_shared>> -> memref<16x128xf32, #tpu.memory_space<vmem_shared>>
    tpu.wait_dma2 semaphore(%arg13 : memref<!tpu.dma_semaphore, #tpu.memory_space<semaphore_mem>>) src(%arg9 : memref<16x128xf32, #tpu.memory_space<vmem>>) dst(%dma_wait3A_364 : memref<16x128xf32, #tpu.memory_space<vmem_shared>>)
    %dma_wait3A_365 = arith.constant 0 : i32
    %dma_wait3A_366 = tpu.memref_slice %arg10[%mul3A_2, %dma_wait3A_365] : memref<10240x128xf32, #tpu.memory_space<vmem_shared>> -> memref<16x128xf32, #tpu.memory_space<vmem_shared>>
    %dma_wait3A_367 = arith.constant 0 : i32
    %dma_wait3A_368 = tpu.memref_slice %arg10[%mul3A_2, %dma_wait3A_367] : memref<10240x128xf32, #tpu.memory_space<vmem_shared>> -> memref<16x128xf32, #tpu.memory_space<vmem_shared>>
    tpu.wait_dma2 semaphore(%arg13 : memref<!tpu.dma_semaphore, #tpu.memory_space<semaphore_mem>>) src(%arg9 : memref<16x128xf32, #tpu.memory_space<vmem>>) dst(%dma_wait3A_368 : memref<16x128xf32, #tpu.memory_space<vmem_shared>>)
    %dma_wait3A_369 = arith.constant 0 : i32
    %dma_wait3A_370 = tpu.memref_slice %arg10[%mul3A_2, %dma_wait3A_369] : memref<10240x128xf32, #tpu.memory_space<vmem_shared>> -> memref<16x128xf32, #tpu.memory_space<vmem_shared>>
    %dma_wait3A_371 = arith.constant 0 : i32
    %dma_wait3A_372 = tpu.memref_slice %arg10[%mul3A_2, %dma_wait3A_371] : memref<10240x128xf32, #tpu.memory_space<vmem_shared>> -> memref<16x128xf32, #tpu.memory_space<vmem_shared>>
    tpu.wait_dma2 semaphore(%arg13 : memref<!tpu.dma_semaphore, #tpu.memory_space<semaphore_mem>>) src(%arg9 : memref<16x128xf32, #tpu.memory_space<vmem>>) dst(%dma_wait3A_372 : memref<16x128xf32, #tpu.memory_space<vmem_shared>>)
    %dma_wait3A_373 = arith.constant 0 : i32
    %dma_wait3A_374 = tpu.memref_slice %arg10[%mul3A_2, %dma_wait3A_373] : memref<10240x128xf32, #tpu.memory_space<vmem_shared>> -> memref<16x128xf32, #tpu.memory_space<vmem_shared>>
    %dma_wait3A_375 = arith.constant 0 : i32
    %dma_wait3A_376 = tpu.memref_slice %arg10[%mul3A_2, %dma_wait3A_375] : memref<10240x128xf32, #tpu.memory_space<vmem_shared>> -> memref<16x128xf32, #tpu.memory_space<vmem_shared>>
    tpu.wait_dma2 semaphore(%arg13 : memref<!tpu.dma_semaphore, #tpu.memory_space<semaphore_mem>>) src(%arg9 : memref<16x128xf32, #tpu.memory_space<vmem>>) dst(%dma_wait3A_376 : memref<16x128xf32, #tpu.memory_space<vmem_shared>>)
    %dma_wait3A_377 = arith.constant 0 : i32
    %dma_wait3A_378 = tpu.memref_slice %arg10[%mul3A_2, %dma_wait3A_377] : memref<10240x128xf32, #tpu.memory_space<vmem_shared>> -> memref<16x128xf32, #tpu.memory_space<vmem_shared>>
    %dma_wait3A_379 = arith.constant 0 : i32
    %dma_wait3A_380 = tpu.memref_slice %arg10[%mul3A_2, %dma_wait3A_379] : memref<10240x128xf32, #tpu.memory_space<vmem_shared>> -> memref<16x128xf32, #tpu.memory_space<vmem_shared>>
    tpu.wait_dma2 semaphore(%arg13 : memref<!tpu.dma_semaphore, #tpu.memory_space<semaphore_mem>>) src(%arg9 : memref<16x128xf32, #tpu.memory_space<vmem>>) dst(%dma_wait3A_380 : memref<16x128xf32, #tpu.memory_space<vmem_shared>>)
    %dma_wait3A_381 = arith.constant 0 : i32
    %dma_wait3A_382 = tpu.memref_slice %arg10[%mul3A_2, %dma_wait3A_381] : memref<10240x128xf32, #tpu.memory_space<vmem_shared>> -> memref<16x128xf32, #tpu.memory_space<vmem_shared>>
    %dma_wait3A_383 = arith.constant 0 : i32
    %dma_wait3A_384 = tpu.memref_slice %arg10[%mul3A_2, %dma_wait3A_383] : memref<10240x128xf32, #tpu.memory_space<vmem_shared>> -> memref<16x128xf32, #tpu.memory_space<vmem_shared>>
    tpu.wait_dma2 semaphore(%arg13 : memref<!tpu.dma_semaphore, #tpu.memory_space<semaphore_mem>>) src(%arg9 : memref<16x128xf32, #tpu.memory_space<vmem>>) dst(%dma_wait3A_384 : memref<16x128xf32, #tpu.memory_space<vmem_shared>>)
    %dma_wait3A_385 = arith.constant 0 : i32
    %dma_wait3A_386 = tpu.memref_slice %arg10[%mul3A_2, %dma_wait3A_385] : memref<10240x128xf32, #tpu.memory_space<vmem_shared>> -> memref<16x128xf32, #tpu.memory_space<vmem_shared>>
    %dma_wait3A_387 = arith.constant 0 : i32
    %dma_wait3A_388 = tpu.memref_slice %arg10[%mul3A_2, %dma_wait3A_387] : memref<10240x128xf32, #tpu.memory_space<vmem_shared>> -> memref<16x128xf32, #tpu.memory_space<vmem_shared>>
    tpu.wait_dma2 semaphore(%arg13 : memref<!tpu.dma_semaphore, #tpu.memory_space<semaphore_mem>>) src(%arg9 : memref<16x128xf32, #tpu.memory_space<vmem>>) dst(%dma_wait3A_388 : memref<16x128xf32, #tpu.memory_space<vmem_shared>>)
    %dma_wait3A_389 = arith.constant 0 : i32
    %dma_wait3A_390 = tpu.memref_slice %arg10[%mul3A_2, %dma_wait3A_389] : memref<10240x128xf32, #tpu.memory_space<vmem_shared>> -> memref<16x128xf32, #tpu.memory_space<vmem_shared>>
    %dma_wait3A_391 = arith.constant 0 : i32
    %dma_wait3A_392 = tpu.memref_slice %arg10[%mul3A_2, %dma_wait3A_391] : memref<10240x128xf32, #tpu.memory_space<vmem_shared>> -> memref<16x128xf32, #tpu.memory_space<vmem_shared>>
    tpu.wait_dma2 semaphore(%arg13 : memref<!tpu.dma_semaphore, #tpu.memory_space<semaphore_mem>>) src(%arg9 : memref<16x128xf32, #tpu.memory_space<vmem>>) dst(%dma_wait3A_392 : memref<16x128xf32, #tpu.memory_space<vmem_shared>>)
    %dma_wait3A_393 = arith.constant 0 : i32
    %dma_wait3A_394 = tpu.memref_slice %arg10[%mul3A_2, %dma_wait3A_393] : memref<10240x128xf32, #tpu.memory_space<vmem_shared>> -> memref<16x128xf32, #tpu.memory_space<vmem_shared>>
    %dma_wait3A_395 = arith.constant 0 : i32
    %dma_wait3A_396 = tpu.memref_slice %arg10[%mul3A_2, %dma_wait3A_395] : memref<10240x128xf32, #tpu.memory_space<vmem_shared>> -> memref<16x128xf32, #tpu.memory_space<vmem_shared>>
    tpu.wait_dma2 semaphore(%arg13 : memref<!tpu.dma_semaphore, #tpu.memory_space<semaphore_mem>>) src(%arg9 : memref<16x128xf32, #tpu.memory_space<vmem>>) dst(%dma_wait3A_396 : memref<16x128xf32, #tpu.memory_space<vmem_shared>>)
    %dma_wait3A_397 = arith.constant 0 : i32
    %dma_wait3A_398 = tpu.memref_slice %arg10[%mul3A_2, %dma_wait3A_397] : memref<10240x128xf32, #tpu.memory_space<vmem_shared>> -> memref<16x128xf32, #tpu.memory_space<vmem_shared>>
    %dma_wait3A_399 = arith.constant 0 : i32
    %dma_wait3A_400 = tpu.memref_slice %arg10[%mul3A_2, %dma_wait3A_399] : memref<10240x128xf32, #tpu.memory_space<vmem_shared>> -> memref<16x128xf32, #tpu.memory_space<vmem_shared>>
    tpu.wait_dma2 semaphore(%arg13 : memref<!tpu.dma_semaphore, #tpu.memory_space<semaphore_mem>>) src(%arg9 : memref<16x128xf32, #tpu.memory_space<vmem>>) dst(%dma_wait3A_400 : memref<16x128xf32, #tpu.memory_space<vmem_shared>>)
    %dma_wait3A_401 = arith.constant 0 : i32
    %dma_wait3A_402 = tpu.memref_slice %arg10[%mul3A_2, %dma_wait3A_401] : memref<10240x128xf32, #tpu.memory_space<vmem_shared>> -> memref<16x128xf32, #tpu.memory_space<vmem_shared>>
    %dma_wait3A_403 = arith.constant 0 : i32
    %dma_wait3A_404 = tpu.memref_slice %arg10[%mul3A_2, %dma_wait3A_403] : memref<10240x128xf32, #tpu.memory_space<vmem_shared>> -> memref<16x128xf32, #tpu.memory_space<vmem_shared>>
    tpu.wait_dma2 semaphore(%arg13 : memref<!tpu.dma_semaphore, #tpu.memory_space<semaphore_mem>>) src(%arg9 : memref<16x128xf32, #tpu.memory_space<vmem>>) dst(%dma_wait3A_404 : memref<16x128xf32, #tpu.memory_space<vmem_shared>>)
    %dma_wait3A_405 = arith.constant 0 : i32
    %dma_wait3A_406 = tpu.memref_slice %arg10[%mul3A_2, %dma_wait3A_405] : memref<10240x128xf32, #tpu.memory_space<vmem_shared>> -> memref<16x128xf32, #tpu.memory_space<vmem_shared>>
    %dma_wait3A_407 = arith.constant 0 : i32
    %dma_wait3A_408 = tpu.memref_slice %arg10[%mul3A_2, %dma_wait3A_407] : memref<10240x128xf32, #tpu.memory_space<vmem_shared>> -> memref<16x128xf32, #tpu.memory_space<vmem_shared>>
    tpu.wait_dma2 semaphore(%arg13 : memref<!tpu.dma_semaphore, #tpu.memory_space<semaphore_mem>>) src(%arg9 : memref<16x128xf32, #tpu.memory_space<vmem>>) dst(%dma_wait3A_408 : memref<16x128xf32, #tpu.memory_space<vmem_shared>>)
    %dma_wait3A_409 = arith.constant 0 : i32
    %dma_wait3A_410 = tpu.memref_slice %arg10[%mul3A_2, %dma_wait3A_409] : memref<10240x128xf32, #tpu.memory_space<vmem_shared>> -> memref<16x128xf32, #tpu.memory_space<vmem_shared>>
    %dma_wait3A_411 = arith.constant 0 : i32
    %dma_wait3A_412 = tpu.memref_slice %arg10[%mul3A_2, %dma_wait3A_411] : memref<10240x128xf32, #tpu.memory_space<vmem_shared>> -> memref<16x128xf32, #tpu.memory_space<vmem_shared>>
    tpu.wait_dma2 semaphore(%arg13 : memref<!tpu.dma_semaphore, #tpu.memory_space<semaphore_mem>>) src(%arg9 : memref<16x128xf32, #tpu.memory_space<vmem>>) dst(%dma_wait3A_412 : memref<16x128xf32, #tpu.memory_space<vmem_shared>>)
    %dma_wait3A_413 = arith.constant 0 : i32
    %dma_wait3A_414 = tpu.memref_slice %arg10[%mul3A_2, %dma_wait3A_413] : memref<10240x128xf32, #tpu.memory_space<vmem_shared>> -> memref<16x128xf32, #tpu.memory_space<vmem_shared>>
    %dma_wait3A_415 = arith.constant 0 : i32
    %dma_wait3A_416 = tpu.memref_slice %arg10[%mul3A_2, %dma_wait3A_415] : memref<10240x128xf32, #tpu.memory_space<vmem_shared>> -> memref<16x128xf32, #tpu.memory_space<vmem_shared>>
    tpu.wait_dma2 semaphore(%arg13 : memref<!tpu.dma_semaphore, #tpu.memory_space<semaphore_mem>>) src(%arg9 : memref<16x128xf32, #tpu.memory_space<vmem>>) dst(%dma_wait3A_416 : memref<16x128xf32, #tpu.memory_space<vmem_shared>>)
    %dma_wait3A_417 = arith.constant 0 : i32
    %dma_wait3A_418 = tpu.memref_slice %arg10[%mul3A_2, %dma_wait3A_417] : memref<10240x128xf32, #tpu.memory_space<vmem_shared>> -> memref<16x128xf32, #tpu.memory_space<vmem_shared>>
    %dma_wait3A_419 = arith.constant 0 : i32
    %dma_wait3A_420 = tpu.memref_slice %arg10[%mul3A_2, %dma_wait3A_419] : memref<10240x128xf32, #tpu.memory_space<vmem_shared>> -> memref<16x128xf32, #tpu.memory_space<vmem_shared>>
    tpu.wait_dma2 semaphore(%arg13 : memref<!tpu.dma_semaphore, #tpu.memory_space<semaphore_mem>>) src(%arg9 : memref<16x128xf32, #tpu.memory_space<vmem>>) dst(%dma_wait3A_420 : memref<16x128xf32, #tpu.memory_space<vmem_shared>>)
    %dma_wait3A_421 = arith.constant 0 : i32
    %dma_wait3A_422 = tpu.memref_slice %arg10[%mul3A_2, %dma_wait3A_421] : memref<10240x128xf32, #tpu.memory_space<vmem_shared>> -> memref<16x128xf32, #tpu.memory_space<vmem_shared>>
    %dma_wait3A_423 = arith.constant 0 : i32
    %dma_wait3A_424 = tpu.memref_slice %arg10[%mul3A_2, %dma_wait3A_423] : memref<10240x128xf32, #tpu.memory_space<vmem_shared>> -> memref<16x128xf32, #tpu.memory_space<vmem_shared>>
    tpu.wait_dma2 semaphore(%arg13 : memref<!tpu.dma_semaphore, #tpu.memory_space<semaphore_mem>>) src(%arg9 : memref<16x128xf32, #tpu.memory_space<vmem>>) dst(%dma_wait3A_424 : memref<16x128xf32, #tpu.memory_space<vmem_shared>>)
    %dma_wait3A_425 = arith.constant 0 : i32
    %dma_wait3A_426 = tpu.memref_slice %arg10[%mul3A_2, %dma_wait3A_425] : memref<10240x128xf32, #tpu.memory_space<vmem_shared>> -> memref<16x128xf32, #tpu.memory_space<vmem_shared>>
    %dma_wait3A_427 = arith.constant 0 : i32
    %dma_wait3A_428 = tpu.memref_slice %arg10[%mul3A_2, %dma_wait3A_427] : memref<10240x128xf32, #tpu.memory_space<vmem_shared>> -> memref<16x128xf32, #tpu.memory_space<vmem_shared>>
    tpu.wait_dma2 semaphore(%arg13 : memref<!tpu.dma_semaphore, #tpu.memory_space<semaphore_mem>>) src(%arg9 : memref<16x128xf32, #tpu.memory_space<vmem>>) dst(%dma_wait3A_428 : memref<16x128xf32, #tpu.memory_space<vmem_shared>>)
    %dma_wait3A_429 = arith.constant 0 : i32
    %dma_wait3A_430 = tpu.memref_slice %arg10[%mul3A_2, %dma_wait3A_429] : memref<10240x128xf32, #tpu.memory_space<vmem_shared>> -> memref<16x128xf32, #tpu.memory_space<vmem_shared>>
    %dma_wait3A_431 = arith.constant 0 : i32
    %dma_wait3A_432 = tpu.memref_slice %arg10[%mul3A_2, %dma_wait3A_431] : memref<10240x128xf32, #tpu.memory_space<vmem_shared>> -> memref<16x128xf32, #tpu.memory_space<vmem_shared>>
    tpu.wait_dma2 semaphore(%arg13 : memref<!tpu.dma_semaphore, #tpu.memory_space<semaphore_mem>>) src(%arg9 : memref<16x128xf32, #tpu.memory_space<vmem>>) dst(%dma_wait3A_432 : memref<16x128xf32, #tpu.memory_space<vmem_shared>>)
    %dma_wait3A_433 = arith.constant 0 : i32
    %dma_wait3A_434 = tpu.memref_slice %arg10[%mul3A_2, %dma_wait3A_433] : memref<10240x128xf32, #tpu.memory_space<vmem_shared>> -> memref<16x128xf32, #tpu.memory_space<vmem_shared>>
    %dma_wait3A_435 = arith.constant 0 : i32
    %dma_wait3A_436 = tpu.memref_slice %arg10[%mul3A_2, %dma_wait3A_435] : memref<10240x128xf32, #tpu.memory_space<vmem_shared>> -> memref<16x128xf32, #tpu.memory_space<vmem_shared>>
    tpu.wait_dma2 semaphore(%arg13 : memref<!tpu.dma_semaphore, #tpu.memory_space<semaphore_mem>>) src(%arg9 : memref<16x128xf32, #tpu.memory_space<vmem>>) dst(%dma_wait3A_436 : memref<16x128xf32, #tpu.memory_space<vmem_shared>>)
    %dma_wait3A_437 = arith.constant 0 : i32
    %dma_wait3A_438 = tpu.memref_slice %arg10[%mul3A_2, %dma_wait3A_437] : memref<10240x128xf32, #tpu.memory_space<vmem_shared>> -> memref<16x128xf32, #tpu.memory_space<vmem_shared>>
    %dma_wait3A_439 = arith.constant 0 : i32
    %dma_wait3A_440 = tpu.memref_slice %arg10[%mul3A_2, %dma_wait3A_439] : memref<10240x128xf32, #tpu.memory_space<vmem_shared>> -> memref<16x128xf32, #tpu.memory_space<vmem_shared>>
    tpu.wait_dma2 semaphore(%arg13 : memref<!tpu.dma_semaphore, #tpu.memory_space<semaphore_mem>>) src(%arg9 : memref<16x128xf32, #tpu.memory_space<vmem>>) dst(%dma_wait3A_440 : memref<16x128xf32, #tpu.memory_space<vmem_shared>>)
    %barrier3A = arith.constant 0 : index
    tpu.barrier barrier_id(%barrier3A)
    %scan3A_441 = arith.constant 0 : i32
    %scan3A_442 = arith.constant 0 : i32
    %scan3A_443 = arith.constant 250 : i32
    %scan3A_444 = arith.addi %scan3A_442, %scan3A_443 : i32
    %scan3A_445 = arith.constant 1 : i32
    scf.for %scan3A_512 = %scan3A_442 to %scan3A_444 step %scan3A_445  : i32 {
      %add3A_513 = arith.constant 2 : i32
      %add3A_514 = arith.addi %scan3A_512, %add3A_513 : i32
      %add3A_515 = arith.constant 1 : i32
      %add3A_516 = arith.addi %add3A_514, %add3A_515 : i32
      %rem3A = arith.constant 25 : i32
      %rem3A_517 = arith.remsi %add3A_516, %rem3A : i32
      %eq3A = arith.constant 0 : i32
      %eq3A_518 = arith.cmpi eq, %rem3A_517, %eq3A : i32
      %lt3A = arith.constant 250 : i32
      %lt3A_519 = arith.cmpi slt, %add3A_516, %lt3A : i32
      %and3A = arith.andi %eq3A_518, %lt3A_519 : i1
      %convert_element_type3A = arith.extui %and3A : i1 to i32
      %cond3A = arith.constant 0 : i32
      %cond3A_520 = arith.cmpi ne, %convert_element_type3A, %cond3A : i32
      scf.if %cond3A_520 {
        %jit3A_576 = arith.constant 25 : i32
        %div3A_577 = arith.divsi %add3A_516, %jit3A_576 : i32
        %sign3A_578 = arith.constant 0 : i32
        %sign3A_579 = arith.cmpi sgt, %add3A_516, %sign3A_578 : i32
        %sign3A_580 = arith.extui %sign3A_579 : i1 to i32
        %sign3A_581 = arith.constant 0 : i32
        %sign3A_582 = arith.cmpi slt, %add3A_516, %sign3A_581 : i32
        %sign3A_583 = arith.extui %sign3A_582 : i1 to i32
        %sign3A_584 = arith.subi %sign3A_580, %sign3A_583 : i32
        %sign3A_585 = arith.constant 0 : i32
        %sign3A_586 = arith.cmpi sgt, %jit3A_576, %sign3A_585 : i32
        %sign3A_587 = arith.extui %sign3A_586 : i1 to i32
        %sign3A_588 = arith.constant 0 : i32
        %sign3A_589 = arith.cmpi slt, %jit3A_576, %sign3A_588 : i32
        %sign3A_590 = arith.extui %sign3A_589 : i1 to i32
        %sign3A_591 = arith.subi %sign3A_587, %sign3A_590 : i32
        %ne3A_592 = arith.cmpi ne, %sign3A_584, %sign3A_591 : i32
        %rem3A_593 = arith.remsi %add3A_516, %jit3A_576 : i32
        %ne3A_594 = arith.constant 0 : i32
        %ne3A_595 = arith.cmpi ne, %rem3A_593, %ne3A_594 : i32
        %and3A_596 = arith.andi %ne3A_592, %ne3A_595 : i1
        %sub3A_597 = arith.constant 1 : i32
        %sub3A_598 = arith.subi %div3A_577, %sub3A_597 : i32
        %select_n3A_599 = arith.select %and3A_596, %sub3A_598, %div3A_577 : i32
        %rem3A_600 = arith.constant 2 : i32
        %rem3A_601 = arith.remsi %select_n3A_599, %rem3A_600 : i32
        "tpu.region"() ({
          %run_scoped3A_602 = tpu.sem_alloc : memref<!tpu.dma_semaphore, #tpu.memory_space<semaphore_mem>>
          %dma_start3A_603 = arith.constant 0 : i32
          %dma_start3A_604 = arith.constant 0 : i32
          %dma_start3A_605 = tpu.memref_slice %arg6[%rem3A_601, %dma_start3A_603, %dma_start3A_604] : memref<2x25x40xi32, #tpu.memory_space<vmem>> -> memref<1x25x40xi32, #tpu.memory_space<vmem>>
          %dma_start3A_606 = tpu.memref_squeeze %dma_start3A_605 : memref<1x25x40xi32, #tpu.memory_space<vmem>> -> memref<25x40xi32, #tpu.memory_space<vmem>>
          %dma_start3A_607 = arith.constant 0 : i32
          %dma_start3A_608 = arith.constant 0 : i32
          %dma_start3A_609 = tpu.memref_slice %arg3[%add3A, %select_n3A_599, %dma_start3A_607, %dma_start3A_608] : memref<32x10x25x40xi32, #tpu.memory_space<hbm>> -> memref<1x1x25x40xi32, #tpu.memory_space<hbm>>
          %dma_start3A_610 = tpu.memref_squeeze %dma_start3A_609 : memref<1x1x25x40xi32, #tpu.memory_space<hbm>> -> memref<25x40xi32, #tpu.memory_space<hbm>>
          %dma_start3A_611 = arith.constant 0 : i32
          %dma_start3A_612 = arith.constant 0 : i32
          %dma_start3A_613 = tpu.memref_slice %arg6[%rem3A_601, %dma_start3A_611, %dma_start3A_612] : memref<2x25x40xi32, #tpu.memory_space<vmem>> -> memref<1x25x40xi32, #tpu.memory_space<vmem>>
          %dma_start3A_614 = tpu.memref_squeeze %dma_start3A_613 : memref<1x25x40xi32, #tpu.memory_space<vmem>> -> memref<25x40xi32, #tpu.memory_space<vmem>>
          %dma_start3A_615 = arith.constant 0 : i32
          %dma_start3A_616 = arith.constant 0 : i32
          %dma_start3A_617 = tpu.memref_slice %arg3[%add3A, %select_n3A_599, %dma_start3A_615, %dma_start3A_616] : memref<32x10x25x40xi32, #tpu.memory_space<hbm>> -> memref<1x1x25x40xi32, #tpu.memory_space<hbm>>
          %dma_start3A_618 = tpu.memref_squeeze %dma_start3A_617 : memref<1x1x25x40xi32, #tpu.memory_space<hbm>> -> memref<25x40xi32, #tpu.memory_space<hbm>>
          tpu.enqueue_dma source(%dma_start3A_618 : memref<25x40xi32, #tpu.memory_space<hbm>>) target(%dma_start3A_614 : memref<25x40xi32, #tpu.memory_space<vmem>>) target_semaphore(%run_scoped3A_602 : memref<!tpu.dma_semaphore, #tpu.memory_space<semaphore_mem>>)
          %dma_wait3A_619 = arith.constant 0 : i32
          %dma_wait3A_620 = arith.constant 0 : i32
          %dma_wait3A_621 = tpu.memref_slice %arg6[%rem3A_601, %dma_wait3A_619, %dma_wait3A_620] : memref<2x25x40xi32, #tpu.memory_space<vmem>> -> memref<1x25x40xi32, #tpu.memory_space<vmem>>
          %dma_wait3A_622 = tpu.memref_squeeze %dma_wait3A_621 : memref<1x25x40xi32, #tpu.memory_space<vmem>> -> memref<25x40xi32, #tpu.memory_space<vmem>>
          %dma_wait3A_623 = arith.constant 0 : i32
          %dma_wait3A_624 = arith.constant 0 : i32
          %dma_wait3A_625 = tpu.memref_slice %arg3[%add3A, %select_n3A_599, %dma_wait3A_623, %dma_wait3A_624] : memref<32x10x25x40xi32, #tpu.memory_space<hbm>> -> memref<1x1x25x40xi32, #tpu.memory_space<hbm>>
          %dma_wait3A_626 = tpu.memref_squeeze %dma_wait3A_625 : memref<1x1x25x40xi32, #tpu.memory_space<hbm>> -> memref<25x40xi32, #tpu.memory_space<hbm>>
          %dma_wait3A_627 = arith.constant 0 : i32
          %dma_wait3A_628 = arith.constant 0 : i32
          %dma_wait3A_629 = tpu.memref_slice %arg6[%rem3A_601, %dma_wait3A_627, %dma_wait3A_628] : memref<2x25x40xi32, #tpu.memory_space<vmem>> -> memref<1x25x40xi32, #tpu.memory_space<vmem>>
          %dma_wait3A_630 = tpu.memref_squeeze %dma_wait3A_629 : memref<1x25x40xi32, #tpu.memory_space<vmem>> -> memref<25x40xi32, #tpu.memory_space<vmem>>
          %dma_wait3A_631 = arith.constant 0 : i32
          %dma_wait3A_632 = arith.constant 0 : i32
          %dma_wait3A_633 = tpu.memref_slice %arg3[%add3A, %select_n3A_599, %dma_wait3A_631, %dma_wait3A_632] : memref<32x10x25x40xi32, #tpu.memory_space<hbm>> -> memref<1x1x25x40xi32, #tpu.memory_space<hbm>>
          %dma_wait3A_634 = tpu.memref_squeeze %dma_wait3A_633 : memref<1x1x25x40xi32, #tpu.memory_space<hbm>> -> memref<25x40xi32, #tpu.memory_space<hbm>>
          tpu.wait_dma2 semaphore(%run_scoped3A_602 : memref<!tpu.dma_semaphore, #tpu.memory_space<semaphore_mem>>) src(%dma_wait3A_634 : memref<25x40xi32, #tpu.memory_space<hbm>>) dst(%dma_wait3A_630 : memref<25x40xi32, #tpu.memory_space<vmem>>)
          tpu.yield
        }) : () -> ()
        "tpu.region"() ({
          %run_scoped3A_602 = tpu.sem_alloc : memref<!tpu.dma_semaphore, #tpu.memory_space<semaphore_mem>>
          %dma_start3A_603 = arith.constant 0 : i32
          %dma_start3A_604 = arith.constant 0 : i32
          %dma_start3A_605 = tpu.memref_slice %arg7[%rem3A_601, %dma_start3A_603, %dma_start3A_604] : memref<2x25x40xi32, #tpu.memory_space<vmem>> -> memref<1x25x40xi32, #tpu.memory_space<vmem>>
          %dma_start3A_606 = tpu.memref_squeeze %dma_start3A_605 : memref<1x25x40xi32, #tpu.memory_space<vmem>> -> memref<25x40xi32, #tpu.memory_space<vmem>>
          %dma_start3A_607 = arith.constant 0 : i32
          %dma_start3A_608 = arith.constant 0 : i32
          %dma_start3A_609 = tpu.memref_slice %arg4[%add3A, %select_n3A_599, %dma_start3A_607, %dma_start3A_608] : memref<32x10x25x40xi32, #tpu.memory_space<hbm>> -> memref<1x1x25x40xi32, #tpu.memory_space<hbm>>
          %dma_start3A_610 = tpu.memref_squeeze %dma_start3A_609 : memref<1x1x25x40xi32, #tpu.memory_space<hbm>> -> memref<25x40xi32, #tpu.memory_space<hbm>>
          %dma_start3A_611 = arith.constant 0 : i32
          %dma_start3A_612 = arith.constant 0 : i32
          %dma_start3A_613 = tpu.memref_slice %arg7[%rem3A_601, %dma_start3A_611, %dma_start3A_612] : memref<2x25x40xi32, #tpu.memory_space<vmem>> -> memref<1x25x40xi32, #tpu.memory_space<vmem>>
          %dma_start3A_614 = tpu.memref_squeeze %dma_start3A_613 : memref<1x25x40xi32, #tpu.memory_space<vmem>> -> memref<25x40xi32, #tpu.memory_space<vmem>>
          %dma_start3A_615 = arith.constant 0 : i32
          %dma_start3A_616 = arith.constant 0 : i32
          %dma_start3A_617 = tpu.memref_slice %arg4[%add3A, %select_n3A_599, %dma_start3A_615, %dma_start3A_616] : memref<32x10x25x40xi32, #tpu.memory_space<hbm>> -> memref<1x1x25x40xi32, #tpu.memory_space<hbm>>
          %dma_start3A_618 = tpu.memref_squeeze %dma_start3A_617 : memref<1x1x25x40xi32, #tpu.memory_space<hbm>> -> memref<25x40xi32, #tpu.memory_space<hbm>>
          tpu.enqueue_dma source(%dma_start3A_618 : memref<25x40xi32, #tpu.memory_space<hbm>>) target(%dma_start3A_614 : memref<25x40xi32, #tpu.memory_space<vmem>>) target_semaphore(%run_scoped3A_602 : memref<!tpu.dma_semaphore, #tpu.memory_space<semaphore_mem>>)
          %dma_wait3A_619 = arith.constant 0 : i32
          %dma_wait3A_620 = arith.constant 0 : i32
          %dma_wait3A_621 = tpu.memref_slice %arg7[%rem3A_601, %dma_wait3A_619, %dma_wait3A_620] : memref<2x25x40xi32, #tpu.memory_space<vmem>> -> memref<1x25x40xi32, #tpu.memory_space<vmem>>
          %dma_wait3A_622 = tpu.memref_squeeze %dma_wait3A_621 : memref<1x25x40xi32, #tpu.memory_space<vmem>> -> memref<25x40xi32, #tpu.memory_space<vmem>>
          %dma_wait3A_623 = arith.constant 0 : i32
          %dma_wait3A_624 = arith.constant 0 : i32
          %dma_wait3A_625 = tpu.memref_slice %arg4[%add3A, %select_n3A_599, %dma_wait3A_623, %dma_wait3A_624] : memref<32x10x25x40xi32, #tpu.memory_space<hbm>> -> memref<1x1x25x40xi32, #tpu.memory_space<hbm>>
          %dma_wait3A_626 = tpu.memref_squeeze %dma_wait3A_625 : memref<1x1x25x40xi32, #tpu.memory_space<hbm>> -> memref<25x40xi32, #tpu.memory_space<hbm>>
          %dma_wait3A_627 = arith.constant 0 : i32
          %dma_wait3A_628 = arith.constant 0 : i32
          %dma_wait3A_629 = tpu.memref_slice %arg7[%rem3A_601, %dma_wait3A_627, %dma_wait3A_628] : memref<2x25x40xi32, #tpu.memory_space<vmem>> -> memref<1x25x40xi32, #tpu.memory_space<vmem>>
          %dma_wait3A_630 = tpu.memref_squeeze %dma_wait3A_629 : memref<1x25x40xi32, #tpu.memory_space<vmem>> -> memref<25x40xi32, #tpu.memory_space<vmem>>
          %dma_wait3A_631 = arith.constant 0 : i32
          %dma_wait3A_632 = arith.constant 0 : i32
          %dma_wait3A_633 = tpu.memref_slice %arg4[%add3A, %select_n3A_599, %dma_wait3A_631, %dma_wait3A_632] : memref<32x10x25x40xi32, #tpu.memory_space<hbm>> -> memref<1x1x25x40xi32, #tpu.memory_space<hbm>>
          %dma_wait3A_634 = tpu.memref_squeeze %dma_wait3A_633 : memref<1x1x25x40xi32, #tpu.memory_space<hbm>> -> memref<25x40xi32, #tpu.memory_space<hbm>>
          tpu.wait_dma2 semaphore(%run_scoped3A_602 : memref<!tpu.dma_semaphore, #tpu.memory_space<semaphore_mem>>) src(%dma_wait3A_634 : memref<25x40xi32, #tpu.memory_space<hbm>>) dst(%dma_wait3A_630 : memref<25x40xi32, #tpu.memory_space<vmem>>)
          tpu.yield
        }) : () -> ()
      } else {
      }
      %rem3A_521 = arith.constant 4 : i32
      %rem3A_522 = arith.remsi %scan3A_512, %rem3A_521 : i32
      %jit3A = arith.constant 25 : i32
      %div3A = arith.divsi %scan3A_512, %jit3A : i32
      %sign3A = arith.constant 0 : i32
      %sign3A_523 = arith.cmpi sgt, %scan3A_512, %sign3A : i32
      %sign3A_524 = arith.extui %sign3A_523 : i1 to i32
      %sign3A_525 = arith.constant 0 : i32
      %sign3A_526 = arith.cmpi slt, %scan3A_512, %sign3A_525 : i32
      %sign3A_527 = arith.extui %sign3A_526 : i1 to i32
      %sign3A_528 = arith.subi %sign3A_524, %sign3A_527 : i32
      %sign3A_529 = arith.constant 0 : i32
      %sign3A_530 = arith.cmpi sgt, %jit3A, %sign3A_529 : i32
      %sign3A_531 = arith.extui %sign3A_530 : i1 to i32
      %sign3A_532 = arith.constant 0 : i32
      %sign3A_533 = arith.cmpi slt, %jit3A, %sign3A_532 : i32
      %sign3A_534 = arith.extui %sign3A_533 : i1 to i32
      %sign3A_535 = arith.subi %sign3A_531, %sign3A_534 : i32
      %ne3A = arith.cmpi ne, %sign3A_528, %sign3A_535 : i32
      %rem3A_536 = arith.remsi %scan3A_512, %jit3A : i32
      %ne3A_537 = arith.constant 0 : i32
      %ne3A_538 = arith.cmpi ne, %rem3A_536, %ne3A_537 : i32
      %and3A_539 = arith.andi %ne3A, %ne3A_538 : i1
      %sub3A = arith.constant 1 : i32
      %sub3A_540 = arith.subi %div3A, %sub3A : i32
      %select_n3A = arith.select %and3A_539, %sub3A_540, %div3A : i32
      %rem3A_541 = arith.constant 2 : i32
      %rem3A_542 = arith.remsi %select_n3A, %rem3A_541 : i32
      %rem3A_543 = arith.constant 25 : i32
      %rem3A_544 = arith.remsi %scan3A_512, %rem3A_543 : i32
      %dma_wait3A_545 = arith.constant 0 : i32
      %dma_wait3A_546 = arith.constant 0 : i32
      %dma_wait3A_547 = tpu.memref_slice %arg8[%rem3A_522, %dma_wait3A_545, %dma_wait3A_546] : memref<4x40x128xf32, #tpu.memory_space<vmem>> -> memref<1x40x128xf32, #tpu.memory_space<vmem>>
      %dma_wait3A_548 = tpu.memref_squeeze %dma_wait3A_547 : memref<1x40x128xf32, #tpu.memory_space<vmem>> -> memref<40x128xf32, #tpu.memory_space<vmem>>
      %dma_wait3A_549 = arith.constant 0 : i32
      %dma_wait3A_550 = tpu.memref_slice %arg6[%rem3A_542, %rem3A_544, %dma_wait3A_549] : memref<2x25x40xi32, #tpu.memory_space<vmem>> -> memref<1x1x40xi32, #tpu.memory_space<vmem>>
      %dma_wait3A_551 = tpu.memref_squeeze %dma_wait3A_550 : memref<1x1x40xi32, #tpu.memory_space<vmem>> -> memref<40xi32, #tpu.memory_space<vmem>>
      %dma_wait3A_552 = arith.constant 0 : i32
      %dma_wait3A_553 = arith.constant 0 : i32
      %dma_wait3A_554 = tpu.memref_slice %arg2[%dma_wait3A_552, %dma_wait3A_553] : memref<10000x128xf32, #tpu.memory_space<hbm>> -> memref<10000x128xf32, #tpu.memory_space<hbm>>
      %dma_wait3A_555 = tpu.memref_slice %arg11[%rem3A_522] : memref<4x!tpu.dma_semaphore, #tpu.memory_space<semaphore_mem>> -> memref<1x!tpu.dma_semaphore, #tpu.memory_space<semaphore_mem>>
      %dma_wait3A_556 = tpu.memref_squeeze %dma_wait3A_555 : memref<1x!tpu.dma_semaphore, #tpu.memory_space<semaphore_mem>> -> memref<!tpu.dma_semaphore, #tpu.memory_space<semaphore_mem>>
      tpu.wait_indirect_dma semaphore(%dma_wait3A_556 : memref<!tpu.dma_semaphore, #tpu.memory_space<semaphore_mem>>) src(%dma_wait3A_554 : memref<10000x128xf32, #tpu.memory_space<hbm>>) dst(%dma_wait3A_548 : memref<40x128xf32, #tpu.memory_space<vmem>>)
      %dma_start3A_557 = arith.constant 0 : i32
      %dma_start3A_558 = arith.constant 0 : i32
      %dma_start3A_559 = tpu.memref_slice %arg8[%rem3A_522, %dma_start3A_557, %dma_start3A_558] : memref<4x40x128xf32, #tpu.memory_space<vmem>> -> memref<1x40x128xf32, #tpu.memory_space<vmem>>
      %dma_start3A_560 = tpu.memref_squeeze %dma_start3A_559 : memref<1x40x128xf32, #tpu.memory_space<vmem>> -> memref<40x128xf32, #tpu.memory_space<vmem>>
      %dma_start3A_561 = arith.constant 0 : i32
      %dma_start3A_562 = tpu.memref_slice %arg7[%rem3A_542, %rem3A_544, %dma_start3A_561] : memref<2x25x40xi32, #tpu.memory_space<vmem>> -> memref<1x1x40xi32, #tpu.memory_space<vmem>>
      %dma_start3A_563 = tpu.memref_squeeze %dma_start3A_562 : memref<1x1x40xi32, #tpu.memory_space<vmem>> -> memref<40xi32, #tpu.memory_space<vmem>>
      %dma_start3A_564 = arith.constant 0 : i32
      %dma_start3A_565 = arith.constant 0 : i32
      %dma_start3A_566 = tpu.memref_slice %arg10[%dma_start3A_564, %dma_start3A_565] : memref<10240x128xf32, #tpu.memory_space<vmem_shared>> -> memref<10240x128xf32, #tpu.memory_space<vmem_shared>>
      %dma_start3A_567 = tpu.memref_slice %arg12[%rem3A_522] : memref<4x!tpu.dma_semaphore, #tpu.memory_space<semaphore_mem>> -> memref<1x!tpu.dma_semaphore, #tpu.memory_space<semaphore_mem>>
      %dma_start3A_568 = tpu.memref_squeeze %dma_start3A_567 : memref<1x!tpu.dma_semaphore, #tpu.memory_space<semaphore_mem>> -> memref<!tpu.dma_semaphore, #tpu.memory_space<semaphore_mem>>
      tpu.enqueue_indirect_dma source(%dma_start3A_560 : memref<40x128xf32, #tpu.memory_space<vmem>>) target(%dma_start3A_566 : memref<10240x128xf32, #tpu.memory_space<vmem_shared>>) offsets(%dma_start3A_563 : memref<40xi32, #tpu.memory_space<vmem>>) semaphore(%dma_start3A_568 : memref<!tpu.dma_semaphore, #tpu.memory_space<semaphore_mem>>) {add = true}
      %add3A_569 = arith.constant 2 : i32
      %add3A_570 = arith.addi %scan3A_512, %add3A_569 : i32
      %lt3A_571 = arith.constant 250 : i32
      %lt3A_572 = arith.cmpi slt, %add3A_570, %lt3A_571 : i32
      %convert_element_type3A_573 = arith.extui %lt3A_572 : i1 to i32
      %cond3A_574 = arith.constant 0 : i32
      %cond3A_575 = arith.cmpi ne, %convert_element_type3A_573, %cond3A_574 : i32
      scf.if %cond3A_575 {
        %rem3A_576 = arith.constant 4 : i32
        %rem3A_577 = arith.remsi %add3A_570, %rem3A_576 : i32
        %ge3A = arith.constant 4 : i32
        %ge3A_578 = arith.cmpi sge, %add3A_570, %ge3A : i32
        %convert_element_type3A_579 = arith.extui %ge3A_578 : i1 to i32
        %cond3A_580 = arith.constant 0 : i32
        %cond3A_581 = arith.cmpi ne, %convert_element_type3A_579, %cond3A_580 : i32
        scf.if %cond3A_581 {
          %sub3A_622 = arith.constant 4 : i32
          %sub3A_623 = arith.subi %add3A_570, %sub3A_622 : i32
          %jit3A_624 = arith.constant 25 : i32
          %div3A_625 = arith.divsi %sub3A_623, %jit3A_624 : i32
          %sign3A_626 = arith.constant 0 : i32
          %sign3A_627 = arith.cmpi sgt, %sub3A_623, %sign3A_626 : i32
          %sign3A_628 = arith.extui %sign3A_627 : i1 to i32
          %sign3A_629 = arith.constant 0 : i32
          %sign3A_630 = arith.cmpi slt, %sub3A_623, %sign3A_629 : i32
          %sign3A_631 = arith.extui %sign3A_630 : i1 to i32
          %sign3A_632 = arith.subi %sign3A_628, %sign3A_631 : i32
          %sign3A_633 = arith.constant 0 : i32
          %sign3A_634 = arith.cmpi sgt, %jit3A_624, %sign3A_633 : i32
          %sign3A_635 = arith.extui %sign3A_634 : i1 to i32
          %sign3A_636 = arith.constant 0 : i32
          %sign3A_637 = arith.cmpi slt, %jit3A_624, %sign3A_636 : i32
          %sign3A_638 = arith.extui %sign3A_637 : i1 to i32
          %sign3A_639 = arith.subi %sign3A_635, %sign3A_638 : i32
          %ne3A_640 = arith.cmpi ne, %sign3A_632, %sign3A_639 : i32
          %rem3A_641 = arith.remsi %sub3A_623, %jit3A_624 : i32
          %ne3A_642 = arith.constant 0 : i32
          %ne3A_643 = arith.cmpi ne, %rem3A_641, %ne3A_642 : i32
          %and3A_644 = arith.andi %ne3A_640, %ne3A_643 : i1
          %sub3A_645 = arith.constant 1 : i32
          %sub3A_646 = arith.subi %div3A_625, %sub3A_645 : i32
          %select_n3A_647 = arith.select %and3A_644, %sub3A_646, %div3A_625 : i32
          %rem3A_648 = arith.constant 2 : i32
          %rem3A_649 = arith.remsi %select_n3A_647, %rem3A_648 : i32
          %rem3A_650 = arith.constant 25 : i32
          %rem3A_651 = arith.remsi %sub3A_623, %rem3A_650 : i32
          %dma_wait3A_652 = arith.constant 0 : i32
          %dma_wait3A_653 = arith.constant 0 : i32
          %dma_wait3A_654 = tpu.memref_slice %arg8[%rem3A_577, %dma_wait3A_652, %dma_wait3A_653] : memref<4x40x128xf32, #tpu.memory_space<vmem>> -> memref<1x40x128xf32, #tpu.memory_space<vmem>>
          %dma_wait3A_655 = tpu.memref_squeeze %dma_wait3A_654 : memref<1x40x128xf32, #tpu.memory_space<vmem>> -> memref<40x128xf32, #tpu.memory_space<vmem>>
          %dma_wait3A_656 = arith.constant 0 : i32
          %dma_wait3A_657 = tpu.memref_slice %arg7[%rem3A_649, %rem3A_651, %dma_wait3A_656] : memref<2x25x40xi32, #tpu.memory_space<vmem>> -> memref<1x1x40xi32, #tpu.memory_space<vmem>>
          %dma_wait3A_658 = tpu.memref_squeeze %dma_wait3A_657 : memref<1x1x40xi32, #tpu.memory_space<vmem>> -> memref<40xi32, #tpu.memory_space<vmem>>
          %dma_wait3A_659 = arith.constant 0 : i32
          %dma_wait3A_660 = arith.constant 0 : i32
          %dma_wait3A_661 = tpu.memref_slice %arg10[%dma_wait3A_659, %dma_wait3A_660] : memref<10240x128xf32, #tpu.memory_space<vmem_shared>> -> memref<10240x128xf32, #tpu.memory_space<vmem_shared>>
          %dma_wait3A_662 = tpu.memref_slice %arg12[%rem3A_577] : memref<4x!tpu.dma_semaphore, #tpu.memory_space<semaphore_mem>> -> memref<1x!tpu.dma_semaphore, #tpu.memory_space<semaphore_mem>>
          %dma_wait3A_663 = tpu.memref_squeeze %dma_wait3A_662 : memref<1x!tpu.dma_semaphore, #tpu.memory_space<semaphore_mem>> -> memref<!tpu.dma_semaphore, #tpu.memory_space<semaphore_mem>>
          tpu.wait_indirect_dma semaphore(%dma_wait3A_663 : memref<!tpu.dma_semaphore, #tpu.memory_space<semaphore_mem>>) src(%dma_wait3A_655 : memref<40x128xf32, #tpu.memory_space<vmem>>) dst(%dma_wait3A_661 : memref<10240x128xf32, #tpu.memory_space<vmem_shared>>)
        } else {
        }
        %jit3A_582 = arith.constant 25 : i32
        %div3A_583 = arith.divsi %add3A_570, %jit3A_582 : i32
        %sign3A_584 = arith.constant 0 : i32
        %sign3A_585 = arith.cmpi sgt, %add3A_570, %sign3A_584 : i32
        %sign3A_586 = arith.extui %sign3A_585 : i1 to i32
        %sign3A_587 = arith.constant 0 : i32
        %sign3A_588 = arith.cmpi slt, %add3A_570, %sign3A_587 : i32
        %sign3A_589 = arith.extui %sign3A_588 : i1 to i32
        %sign3A_590 = arith.subi %sign3A_586, %sign3A_589 : i32
        %sign3A_591 = arith.constant 0 : i32
        %sign3A_592 = arith.cmpi sgt, %jit3A_582, %sign3A_591 : i32
        %sign3A_593 = arith.extui %sign3A_592 : i1 to i32
        %sign3A_594 = arith.constant 0 : i32
        %sign3A_595 = arith.cmpi slt, %jit3A_582, %sign3A_594 : i32
        %sign3A_596 = arith.extui %sign3A_595 : i1 to i32
        %sign3A_597 = arith.subi %sign3A_593, %sign3A_596 : i32
        %ne3A_598 = arith.cmpi ne, %sign3A_590, %sign3A_597 : i32
        %rem3A_599 = arith.remsi %add3A_570, %jit3A_582 : i32
        %ne3A_600 = arith.constant 0 : i32
        %ne3A_601 = arith.cmpi ne, %rem3A_599, %ne3A_600 : i32
        %and3A_602 = arith.andi %ne3A_598, %ne3A_601 : i1
        %sub3A_603 = arith.constant 1 : i32
        %sub3A_604 = arith.subi %div3A_583, %sub3A_603 : i32
        %select_n3A_605 = arith.select %and3A_602, %sub3A_604, %div3A_583 : i32
        %rem3A_606 = arith.constant 2 : i32
        %rem3A_607 = arith.remsi %select_n3A_605, %rem3A_606 : i32
        %rem3A_608 = arith.constant 25 : i32
        %rem3A_609 = arith.remsi %add3A_570, %rem3A_608 : i32
        %dma_start3A_610 = arith.constant 0 : i32
        %dma_start3A_611 = arith.constant 0 : i32
        %dma_start3A_612 = tpu.memref_slice %arg8[%rem3A_577, %dma_start3A_610, %dma_start3A_611] : memref<4x40x128xf32, #tpu.memory_space<vmem>> -> memref<1x40x128xf32, #tpu.memory_space<vmem>>
        %dma_start3A_613 = tpu.memref_squeeze %dma_start3A_612 : memref<1x40x128xf32, #tpu.memory_space<vmem>> -> memref<40x128xf32, #tpu.memory_space<vmem>>
        %dma_start3A_614 = arith.constant 0 : i32
        %dma_start3A_615 = tpu.memref_slice %arg6[%rem3A_607, %rem3A_609, %dma_start3A_614] : memref<2x25x40xi32, #tpu.memory_space<vmem>> -> memref<1x1x40xi32, #tpu.memory_space<vmem>>
        %dma_start3A_616 = tpu.memref_squeeze %dma_start3A_615 : memref<1x1x40xi32, #tpu.memory_space<vmem>> -> memref<40xi32, #tpu.memory_space<vmem>>
        %dma_start3A_617 = arith.constant 0 : i32
        %dma_start3A_618 = arith.constant 0 : i32
        %dma_start3A_619 = tpu.memref_slice %arg2[%dma_start3A_617, %dma_start3A_618] : memref<10000x128xf32, #tpu.memory_space<hbm>> -> memref<10000x128xf32, #tpu.memory_space<hbm>>
        %dma_start3A_620 = tpu.memref_slice %arg11[%rem3A_577] : memref<4x!tpu.dma_semaphore, #tpu.memory_space<semaphore_mem>> -> memref<1x!tpu.dma_semaphore, #tpu.memory_space<semaphore_mem>>
        %dma_start3A_621 = tpu.memref_squeeze %dma_start3A_620 : memref<1x!tpu.dma_semaphore, #tpu.memory_space<semaphore_mem>> -> memref<!tpu.dma_semaphore, #tpu.memory_space<semaphore_mem>>
        tpu.enqueue_indirect_dma source(%dma_start3A_619 : memref<10000x128xf32, #tpu.memory_space<hbm>>) target(%dma_start3A_613 : memref<40x128xf32, #tpu.memory_space<vmem>>) offsets(%dma_start3A_616 : memref<40xi32, #tpu.memory_space<vmem>>) semaphore(%dma_start3A_621 : memref<!tpu.dma_semaphore, #tpu.memory_space<semaphore_mem>>)
      } else {
      }
    }
    %scan3A_446 = arith.constant 250 : i32
    %dma_wait3A_447 = arith.constant 2 : i32
    %dma_wait3A_448 = arith.constant 1 : i32
    %dma_wait3A_449 = arith.constant 21 : i32
    %dma_wait3A_450 = arith.constant 2 : i32
    %dma_wait3A_451 = arith.constant 0 : i32
    %dma_wait3A_452 = arith.constant 0 : i32
    %dma_wait3A_453 = tpu.memref_slice %arg8[%dma_wait3A_447, %dma_wait3A_451, %dma_wait3A_452] : memref<4x40x128xf32, #tpu.memory_space<vmem>> -> memref<1x40x128xf32, #tpu.memory_space<vmem>>
    %dma_wait3A_454 = tpu.memref_squeeze %dma_wait3A_453 : memref<1x40x128xf32, #tpu.memory_space<vmem>> -> memref<40x128xf32, #tpu.memory_space<vmem>>
    %dma_wait3A_455 = arith.constant 0 : i32
    %dma_wait3A_456 = tpu.memref_slice %arg7[%dma_wait3A_448, %dma_wait3A_449, %dma_wait3A_455] : memref<2x25x40xi32, #tpu.memory_space<vmem>> -> memref<1x1x40xi32, #tpu.memory_space<vmem>>
    %dma_wait3A_457 = tpu.memref_squeeze %dma_wait3A_456 : memref<1x1x40xi32, #tpu.memory_space<vmem>> -> memref<40xi32, #tpu.memory_space<vmem>>
    %dma_wait3A_458 = arith.constant 0 : i32
    %dma_wait3A_459 = arith.constant 0 : i32
    %dma_wait3A_460 = tpu.memref_slice %arg10[%dma_wait3A_458, %dma_wait3A_459] : memref<10240x128xf32, #tpu.memory_space<vmem_shared>> -> memref<10240x128xf32, #tpu.memory_space<vmem_shared>>
    %dma_wait3A_461 = tpu.memref_slice %arg12[%dma_wait3A_450] : memref<4x!tpu.dma_semaphore, #tpu.memory_space<semaphore_mem>> -> memref<1x!tpu.dma_semaphore, #tpu.memory_space<semaphore_mem>>
    %dma_wait3A_462 = tpu.memref_squeeze %dma_wait3A_461 : memref<1x!tpu.dma_semaphore, #tpu.memory_space<semaphore_mem>> -> memref<!tpu.dma_semaphore, #tpu.memory_space<semaphore_mem>>
    tpu.wait_indirect_dma semaphore(%dma_wait3A_462 : memref<!tpu.dma_semaphore, #tpu.memory_space<semaphore_mem>>) src(%dma_wait3A_454 : memref<40x128xf32, #tpu.memory_space<vmem>>) dst(%dma_wait3A_460 : memref<10240x128xf32, #tpu.memory_space<vmem_shared>>)
    %dma_wait3A_463 = arith.constant 3 : i32
    %dma_wait3A_464 = arith.constant 1 : i32
    %dma_wait3A_465 = arith.constant 22 : i32
    %dma_wait3A_466 = arith.constant 3 : i32
    %dma_wait3A_467 = arith.constant 0 : i32
    %dma_wait3A_468 = arith.constant 0 : i32
    %dma_wait3A_469 = tpu.memref_slice %arg8[%dma_wait3A_463, %dma_wait3A_467, %dma_wait3A_468] : memref<4x40x128xf32, #tpu.memory_space<vmem>> -> memref<1x40x128xf32, #tpu.memory_space<vmem>>
    %dma_wait3A_470 = tpu.memref_squeeze %dma_wait3A_469 : memref<1x40x128xf32, #tpu.memory_space<vmem>> -> memref<40x128xf32, #tpu.memory_space<vmem>>
    %dma_wait3A_471 = arith.constant 0 : i32
    %dma_wait3A_472 = tpu.memref_slice %arg7[%dma_wait3A_464, %dma_wait3A_465, %dma_wait3A_471] : memref<2x25x40xi32, #tpu.memory_space<vmem>> -> memref<1x1x40xi32, #tpu.memory_space<vmem>>
    %dma_wait3A_473 = tpu.memref_squeeze %dma_wait3A_472 : memref<1x1x40xi32, #tpu.memory_space<vmem>> -> memref<40xi32, #tpu.memory_space<vmem>>
    %dma_wait3A_474 = arith.constant 0 : i32
    %dma_wait3A_475 = arith.constant 0 : i32
    %dma_wait3A_476 = tpu.memref_slice %arg10[%dma_wait3A_474, %dma_wait3A_475] : memref<10240x128xf32, #tpu.memory_space<vmem_shared>> -> memref<10240x128xf32, #tpu.memory_space<vmem_shared>>
    %dma_wait3A_477 = tpu.memref_slice %arg12[%dma_wait3A_466] : memref<4x!tpu.dma_semaphore, #tpu.memory_space<semaphore_mem>> -> memref<1x!tpu.dma_semaphore, #tpu.memory_space<semaphore_mem>>
    %dma_wait3A_478 = tpu.memref_squeeze %dma_wait3A_477 : memref<1x!tpu.dma_semaphore, #tpu.memory_space<semaphore_mem>> -> memref<!tpu.dma_semaphore, #tpu.memory_space<semaphore_mem>>
    tpu.wait_indirect_dma semaphore(%dma_wait3A_478 : memref<!tpu.dma_semaphore, #tpu.memory_space<semaphore_mem>>) src(%dma_wait3A_470 : memref<40x128xf32, #tpu.memory_space<vmem>>) dst(%dma_wait3A_476 : memref<10240x128xf32, #tpu.memory_space<vmem_shared>>)
    %dma_wait3A_479 = arith.constant 0 : i32
    %dma_wait3A_480 = arith.constant 1 : i32
    %dma_wait3A_481 = arith.constant 23 : i32
    %dma_wait3A_482 = arith.constant 0 : i32
    %dma_wait3A_483 = arith.constant 0 : i32
    %dma_wait3A_484 = arith.constant 0 : i32
    %dma_wait3A_485 = tpu.memref_slice %arg8[%dma_wait3A_479, %dma_wait3A_483, %dma_wait3A_484] : memref<4x40x128xf32, #tpu.memory_space<vmem>> -> memref<1x40x128xf32, #tpu.memory_space<vmem>>
    %dma_wait3A_486 = tpu.memref_squeeze %dma_wait3A_485 : memref<1x40x128xf32, #tpu.memory_space<vmem>> -> memref<40x128xf32, #tpu.memory_space<vmem>>
    %dma_wait3A_487 = arith.constant 0 : i32
    %dma_wait3A_488 = tpu.memref_slice %arg7[%dma_wait3A_480, %dma_wait3A_481, %dma_wait3A_487] : memref<2x25x40xi32, #tpu.memory_space<vmem>> -> memref<1x1x40xi32, #tpu.memory_space<vmem>>
    %dma_wait3A_489 = tpu.memref_squeeze %dma_wait3A_488 : memref<1x1x40xi32, #tpu.memory_space<vmem>> -> memref<40xi32, #tpu.memory_space<vmem>>
    %dma_wait3A_490 = arith.constant 0 : i32
    %dma_wait3A_491 = arith.constant 0 : i32
    %dma_wait3A_492 = tpu.memref_slice %arg10[%dma_wait3A_490, %dma_wait3A_491] : memref<10240x128xf32, #tpu.memory_space<vmem_shared>> -> memref<10240x128xf32, #tpu.memory_space<vmem_shared>>
    %dma_wait3A_493 = tpu.memref_slice %arg12[%dma_wait3A_482] : memref<4x!tpu.dma_semaphore, #tpu.memory_space<semaphore_mem>> -> memref<1x!tpu.dma_semaphore, #tpu.memory_space<semaphore_mem>>
    %dma_wait3A_494 = tpu.memref_squeeze %dma_wait3A_493 : memref<1x!tpu.dma_semaphore, #tpu.memory_space<semaphore_mem>> -> memref<!tpu.dma_semaphore, #tpu.memory_space<semaphore_mem>>
    tpu.wait_indirect_dma semaphore(%dma_wait3A_494 : memref<!tpu.dma_semaphore, #tpu.memory_space<semaphore_mem>>) src(%dma_wait3A_486 : memref<40x128xf32, #tpu.memory_space<vmem>>) dst(%dma_wait3A_492 : memref<10240x128xf32, #tpu.memory_space<vmem_shared>>)
    %dma_wait3A_495 = arith.constant 1 : i32
    %dma_wait3A_496 = arith.constant 1 : i32
    %dma_wait3A_497 = arith.constant 24 : i32
    %dma_wait3A_498 = arith.constant 1 : i32
    %dma_wait3A_499 = arith.constant 0 : i32
    %dma_wait3A_500 = arith.constant 0 : i32
    %dma_wait3A_501 = tpu.memref_slice %arg8[%dma_wait3A_495, %dma_wait3A_499, %dma_wait3A_500] : memref<4x40x128xf32, #tpu.memory_space<vmem>> -> memref<1x40x128xf32, #tpu.memory_space<vmem>>
    %dma_wait3A_502 = tpu.memref_squeeze %dma_wait3A_501 : memref<1x40x128xf32, #tpu.memory_space<vmem>> -> memref<40x128xf32, #tpu.memory_space<vmem>>
    %dma_wait3A_503 = arith.constant 0 : i32
    %dma_wait3A_504 = tpu.memref_slice %arg7[%dma_wait3A_496, %dma_wait3A_497, %dma_wait3A_503] : memref<2x25x40xi32, #tpu.memory_space<vmem>> -> memref<1x1x40xi32, #tpu.memory_space<vmem>>
    %dma_wait3A_505 = tpu.memref_squeeze %dma_wait3A_504 : memref<1x1x40xi32, #tpu.memory_space<vmem>> -> memref<40xi32, #tpu.memory_space<vmem>>
    %dma_wait3A_506 = arith.constant 0 : i32
    %dma_wait3A_507 = arith.constant 0 : i32
    %dma_wait3A_508 = tpu.memref_slice %arg10[%dma_wait3A_506, %dma_wait3A_507] : memref<10240x128xf32, #tpu.memory_space<vmem_shared>> -> memref<10240x128xf32, #tpu.memory_space<vmem_shared>>
    %dma_wait3A_509 = tpu.memref_slice %arg12[%dma_wait3A_498] : memref<4x!tpu.dma_semaphore, #tpu.memory_space<semaphore_mem>> -> memref<1x!tpu.dma_semaphore, #tpu.memory_space<semaphore_mem>>
    %dma_wait3A_510 = tpu.memref_squeeze %dma_wait3A_509 : memref<1x!tpu.dma_semaphore, #tpu.memory_space<semaphore_mem>> -> memref<!tpu.dma_semaphore, #tpu.memory_space<semaphore_mem>>
    tpu.wait_indirect_dma semaphore(%dma_wait3A_510 : memref<!tpu.dma_semaphore, #tpu.memory_space<semaphore_mem>>) src(%dma_wait3A_502 : memref<40x128xf32, #tpu.memory_space<vmem>>) dst(%dma_wait3A_508 : memref<10240x128xf32, #tpu.memory_space<vmem_shared>>)
    %barrier3A_511 = arith.constant 0 : index
    tpu.barrier barrier_id(%barrier3A_511)
    "tpu.region"() ({
      %run_scoped3A_512 = tpu.sem_alloc : memref<!tpu.dma_semaphore, #tpu.memory_space<semaphore_mem>>
      %dma_start3A_513 = arith.constant 0 : i32
      %dma_start3A_514 = tpu.memref_slice %arg5[%arg0, %mul3A_2, %dma_start3A_513] : memref<2x10240x128xf32, #tpu.memory_space<hbm>> -> memref<1x640x128xf32, #tpu.memory_space<hbm>>
      %dma_start3A_515 = tpu.memref_squeeze %dma_start3A_514 : memref<1x640x128xf32, #tpu.memory_space<hbm>> -> memref<640x128xf32, #tpu.memory_space<hbm>>
      %dma_start3A_516 = arith.constant 0 : i32
      %dma_start3A_517 = tpu.memref_slice %arg10[%mul3A_2, %dma_start3A_516] : memref<10240x128xf32, #tpu.memory_space<vmem_shared>> -> memref<640x128xf32, #tpu.memory_space<vmem_shared>>
      tpu.enqueue_dma source(%dma_start3A_517 : memref<640x128xf32, #tpu.memory_space<vmem_shared>>) target(%dma_start3A_515 : memref<640x128xf32, #tpu.memory_space<hbm>>) target_semaphore(%run_scoped3A_512 : memref<!tpu.dma_semaphore, #tpu.memory_space<semaphore_mem>>)
      %dma_wait3A_518 = arith.constant 0 : i32
      %dma_wait3A_519 = tpu.memref_slice %arg5[%arg0, %mul3A_2, %dma_wait3A_518] : memref<2x10240x128xf32, #tpu.memory_space<hbm>> -> memref<1x640x128xf32, #tpu.memory_space<hbm>>
      %dma_wait3A_520 = tpu.memref_squeeze %dma_wait3A_519 : memref<1x640x128xf32, #tpu.memory_space<hbm>> -> memref<640x128xf32, #tpu.memory_space<hbm>>
      %dma_wait3A_521 = arith.constant 0 : i32
      %dma_wait3A_522 = tpu.memref_slice %arg10[%mul3A_2, %dma_wait3A_521] : memref<10240x128xf32, #tpu.memory_space<vmem_shared>> -> memref<640x128xf32, #tpu.memory_space<vmem_shared>>
      tpu.wait_dma2 semaphore(%run_scoped3A_512 : memref<!tpu.dma_semaphore, #tpu.memory_space<semaphore_mem>>) src(%dma_wait3A_522 : memref<640x128xf32, #tpu.memory_space<vmem_shared>>) dst(%dma_wait3A_520 : memref<640x128xf32, #tpu.memory_space<hbm>>)
      tpu.yield
    }) : () -> ()
    return
  }
}

module attributes {stable_mosaic.version = 14 : i64} {
  func.func @_mlp_body(%arg0: i32, %arg1: memref<1xf32, #tpu.memory_space<smem>>, %arg2: memref<2000x128xf32, #tpu.memory_space<vmem>>, %arg3: memref<2x2000x128xf32, #tpu.memory_space<vmem>>, %arg4: memref<128x128xf32, #tpu.memory_space<vmem>>, %arg5: memref<1x128xf32, #tpu.memory_space<vmem>>, %arg6: memref<128x128xf32, #tpu.memory_space<vmem>>, %arg7: memref<1x128xf32, #tpu.memory_space<vmem>>, %arg8: memref<2000x128xf32, #tpu.memory_space<vmem>>) attributes {dimension_semantics = [#tpu.dimension_semantics<arbitrary>], iteration_bounds = array<i64: 5>, scalar_prefetch = 0 : i64, scratch_operands = 0 : i64, tpu.core_type = #tpu.core_type<tc>, window_params = [{transform_indices = @transform_0, window_bounds = array<i64: 1>}, {transform_indices = @transform_1, window_bounds = array<i64: 2000, 128>}, {transform_indices = @transform_2, window_bounds = array<i64: 2, 2000, 128>}, {pipeline_mode = #tpu.pipeline_mode<synchronous>, transform_indices = @transform_3, window_bounds = array<i64: 128, 128>}, {pipeline_mode = #tpu.pipeline_mode<synchronous>, transform_indices = @transform_4, window_bounds = array<i64: 1, 128>}, {pipeline_mode = #tpu.pipeline_mode<synchronous>, transform_indices = @transform_5, window_bounds = array<i64: 128, 128>}, {pipeline_mode = #tpu.pipeline_mode<synchronous>, transform_indices = @transform_6, window_bounds = array<i64: 1, 128>}, {transform_indices = @transform_7, window_bounds = array<i64: 2000, 128>}]} {
    %get3A = arith.constant 0 : index
    %get3A_0 = arith.constant 0 : index
    %get3A_1 = vector.load %arg2[%get3A, %get3A_0] : memref<2000x128xf32, #tpu.memory_space<vmem>>, vector<2000x128xf32>
    %get3A_2 = arith.constant 0 : index
    %get3A_3 = memref.load %arg1[%get3A_2] : memref<1xf32, #tpu.memory_space<smem>>
    %add3A = arith.constant 1.000000e+00 : f32
    %add3A_4 = arith.addf %add3A, %get3A_3 : f32
    %mul3A = vector.broadcast %add3A_4 : f32 to vector<2000x128xf32>
    %mul3A_5 = arith.mulf %get3A_1, %mul3A : vector<2000x128xf32>
    %get3A_6 = arith.constant 0 : index
    %get3A_7 = arith.constant 0 : index
    %get3A_8 = arith.constant 0 : index
    %get3A_9 = vector.load %arg3[%get3A_6, %get3A_7, %get3A_8] : memref<2x2000x128xf32, #tpu.memory_space<vmem>>, vector<1x2000x128xf32>
    %get3A_10 = vector.shape_cast %get3A_9 : vector<1x2000x128xf32> to vector<2000x128xf32>
    %add3A_11 = arith.addf %mul3A_5, %get3A_10 : vector<2000x128xf32>
    %get3A_12 = arith.constant 1 : index
    %get3A_13 = arith.constant 0 : index
    %get3A_14 = arith.constant 0 : index
    %get3A_15 = vector.load %arg3[%get3A_12, %get3A_13, %get3A_14] : memref<2x2000x128xf32, #tpu.memory_space<vmem>>, vector<1x2000x128xf32>
    %get3A_16 = vector.shape_cast %get3A_15 : vector<1x2000x128xf32> to vector<2000x128xf32>
    %add3A_17 = arith.addf %add3A_11, %get3A_16 : vector<2000x128xf32>
    %get3A_18 = arith.constant 0 : index
    %get3A_19 = arith.constant 0 : index
    %get3A_20 = vector.load %arg4[%get3A_18, %get3A_19] : memref<128x128xf32, #tpu.memory_space<vmem>>, vector<128x128xf32>
    %dot_general3A = arith.constant dense<0.000000e+00> : vector<2000x128xf32>
    %dot_general3A_21 = tpu.matmul %add3A_17, %get3A_20, %dot_general3A {dimension_numbers = #tpu.dot_dimension_numbers<[1], [0], [0], [1], [0, 0, 1, 1], [], []>, transpose_lhs_hint = false} : vector<2000x128xf32>, vector<128x128xf32>, vector<2000x128xf32> -> vector<2000x128xf32>
    %get3A_22 = arith.constant 0 : index
    %get3A_23 = arith.constant 0 : index
    %get3A_24 = vector.load %arg5[%get3A_22, %get3A_23] : memref<1x128xf32, #tpu.memory_space<vmem>>, vector<1x128xf32>
    %add3A_25 = vector.broadcast %get3A_24 : vector<1x128xf32> to vector<2000x128xf32>
    %add3A_26 = arith.addf %dot_general3A_21, %add3A_25 : vector<2000x128xf32>
    %max3A = arith.constant 0.000000e+00 : f32
    %max3A_27 = vector.broadcast %max3A : f32 to vector<2000x128xf32>
    %max3A_28 = arith.maximumf %add3A_26, %max3A_27 : vector<2000x128xf32>
    %get3A_29 = arith.constant 0 : index
    %get3A_30 = arith.constant 0 : index
    %get3A_31 = vector.load %arg6[%get3A_29, %get3A_30] : memref<128x128xf32, #tpu.memory_space<vmem>>, vector<128x128xf32>
    %dot_general3A_32 = arith.constant dense<0.000000e+00> : vector<2000x128xf32>
    %dot_general3A_33 = tpu.matmul %max3A_28, %get3A_31, %dot_general3A_32 {dimension_numbers = #tpu.dot_dimension_numbers<[1], [0], [0], [1], [0, 0, 1, 1], [], []>, transpose_lhs_hint = false} : vector<2000x128xf32>, vector<128x128xf32>, vector<2000x128xf32> -> vector<2000x128xf32>
    %get3A_34 = arith.constant 0 : index
    %get3A_35 = arith.constant 0 : index
    %get3A_36 = vector.load %arg7[%get3A_34, %get3A_35] : memref<1x128xf32, #tpu.memory_space<vmem>>, vector<1x128xf32>
    %add3A_37 = vector.broadcast %get3A_36 : vector<1x128xf32> to vector<2000x128xf32>
    %add3A_38 = arith.addf %dot_general3A_33, %add3A_37 : vector<2000x128xf32>
    %swap3A = arith.constant 0 : index
    %swap3A_39 = arith.constant 0 : index
    %swap3A_40 = vector.load %arg8[%swap3A, %swap3A_39] : memref<2000x128xf32, #tpu.memory_space<vmem>>, vector<2000x128xf32>
    tpu.vector_store %arg8[%swap3A, %swap3A_39], %add3A_38 {strides = array<i32>} : memref<2000x128xf32, #tpu.memory_space<vmem>>, vector<2000x128xf32>,
    return
  }
  func.func @transform_0(%arg0: i32) -> i32 {
    %c0_i32 = arith.constant 0 : i32
    %c0_i32_0 = arith.constant 0 : i32
    return %c0_i32 : i32
  }
  func.func @transform_1(%arg0: i32) -> (i32, i32) {
    %c0_i32 = arith.constant 0 : i32
    %c0_i32_0 = arith.constant 0 : i32
    return %arg0, %c0_i32 : i32, i32
  }
  func.func @transform_2(%arg0: i32) -> (i32, i32, i32) {
    %c0_i32 = arith.constant 0 : i32
    %c0_i32_0 = arith.constant 0 : i32
    %c0_i32_1 = arith.constant 0 : i32
    return %c0_i32, %arg0, %c0_i32_0 : i32, i32, i32
  }
  func.func @transform_3(%arg0: i32) -> (i32, i32) {
    %c0_i32 = arith.constant 0 : i32
    %c0_i32_0 = arith.constant 0 : i32
    %c0_i32_1 = arith.constant 0 : i32
    return %c0_i32, %c0_i32_0 : i32, i32
  }
  func.func @transform_4(%arg0: i32) -> (i32, i32) {
    %c0_i32 = arith.constant 0 : i32
    %c0_i32_0 = arith.constant 0 : i32
    %c0_i32_1 = arith.constant 0 : i32
    return %c0_i32, %c0_i32_0 : i32, i32
  }
  func.func @transform_5(%arg0: i32) -> (i32, i32) {
    %c0_i32 = arith.constant 0 : i32
    %c0_i32_0 = arith.constant 0 : i32
    %c0_i32_1 = arith.constant 0 : i32
    return %c0_i32, %c0_i32_0 : i32, i32
  }
  func.func @transform_6(%arg0: i32) -> (i32, i32) {
    %c0_i32 = arith.constant 0 : i32
    %c0_i32_0 = arith.constant 0 : i32
    %c0_i32_1 = arith.constant 0 : i32
    return %c0_i32, %c0_i32_0 : i32, i32
  }
  func.func @transform_7(%arg0: i32) -> (i32, i32) {
    %c0_i32 = arith.constant 0 : i32
    %c0_i32_0 = arith.constant 0 : i32
    return %arg0, %c0_i32 : i32, i32
  }
}

</mosaic_0001>

<sc_bundles>
// kernel: kernel.4.cloned.1.call-start
scs
__scs_entry_jumppad:
0x0: {  	(pc) =	sbr.rel $0x88, $3  }
0x1: {  	(tag) =	ssettag $0x0;
	lr =	simm.s32 $0x1  }
0x2: {  	[smem:$0x3F9A] =	sst lr;
	_ =	strace $0xD0000000  }
0x3: {  	_ = 	snop  }
0x4: {  	_ = 	snop  }
0x5: {  	_ = 	snop  }
0x6: {  	_ = 	snop  }
0x7: {  	_ = 	snop  }
__scs_overlays_trampoline_lowered:
0x8: {  	[smem:$0x3FA9] =	sst s0  }
0x9: {  	[smem:$0x3FAA] =	sst s1  }
0xa: {  	[smem:$0x3FAB] =	sst s2  }
0xb: {  	[smem:$0x3FAC] =	sst s3  }
0xc: {  	[smem:$0x3FAD] =	sst s4  }
0xd: {  	[smem:$0x3FAE] =	sst s5  }
0xe: {  	[smem:$0x3FAF] =	sst s6  }
0xf: {  	[smem:$0x3FB0] =	sst s7  }
0x10: {  	[smem:$0x3FB1] =	sst s8  }
0x11: {  	[smem:$0x3FB2] =	sst s9;
	s0 =	simm.s32 @!p0 $0x0  }
0x12: {  	s1 =	sld [smem:$0x3F98];
	s0 =	simm.s32 @p0 $0x1  }
0x13: {  	[smem:$0x3FB3] =	sst s0;
	s0 =	simm.s32 @!p1 $0x0  }
0x14: {  	s2 =	sld [smem:$0x3F97];
	s0 =	simm.s32 @p1 $0x1  }
0x15: {  	[smem:$0x3FB4] =	sst s0;
	s0 =	simm.s32 @!p2 $0x0  }
0x16: {  	s3 =	sld [smem:$0x3FDB];
	s0 =	simm.s32 @p2 $0x1  }
0x17: {  	s4 =	simm.s32 $0x1BF5;
	[smem:$0x3FB6] =	sst s0  }
0x18: {  	s0 =	sld [smem:$0x3F99];
	_ =	swait.ge [sflag:s4], $0x0  }
0x19: {  	s7 =	sld [smem:$0x3F9A]  }
0x1a: {  	s8 =	sadd.s32 $0xFFFFE003, lr  }
0x1b: {  	s9 =	sadd.s32 $0xFFFFFEF7, lr;
	s5 =	simm.s32 $0xFFFFFFFF;
	p2 =	slt.u32 s8, $0xFFFFF086  }
0x1c: {  	p1 =	slt.u32 s9, $0xF7A;
	s5 =	simm.s32 @!p2 $0x0  }
0x1d: {  	s5 =	simm.s32 @p1 $0x1;
	p0 =	seq.s32 s7, s2  }
0x1e: {  	s7 =	smul.u32 @!p0 $0xF7A, s2;
	p2 =	seq.s32 @!p0 s5, $0x0  }
0x1f: {  	s9 =	smul.u32 $0xF7A, s1;
	s8 =	simm.s32 @!p0 $0x1BF5;
	p2 =	por !p2, p0  }
0x20: {  	[sflag:s8] =	ssyncset.s32 @!p0 $0xFFFFF086;
	s6 =	sadd.s32 @!p0 s3, s7;
	s7 =	simm.s32 @!p0 $0x108  }
0x21: {  	s3 =	sadd.s32 s3, s9;
	s6 =	sadd.s32 @!p0 $0x88, s6;
	s7 =	simm.s32 @p2 $0x1082  }
0x22: {  	[simem:s7], [sflag:s8] =	dma.local @!p0 [hbm:s6], $0xF7A  }
0x23: {  	s9 =	sor.u32 $0xD0000000, s2;
	s6 =	simm.s32 $0x108;
	_ =	swait.ge @!p0 [sflag:s8], $0x0  }
0x24: {  	s3 =	sadd.s32 $0x88, s3;
	s6 =	simm.s32 @!p1 $0x1082;
	[sflag:s4] =	ssyncset.s32 $0xFFFFF086  }
0x25: {  	[simem:s6], [sflag:s4] =	dma.local [hbm:s3], $0xF7A  }
0x26: {  	[smem:$0x3F9A] =	sst s1;
	(tag) =	ssettag s2;
	_ =	strace s9  }
0x27: {  	s1 =	sld [smem:$0x3FAA]  }
0x28: {  	s2 =	sld [smem:$0x3FAB]  }
0x29: {  	s4 =	sld [smem:$0x3FAD]  }
0x2a: {  	p0 =	seq.s32 s5, $0x0;
	s5 =	sld [smem:$0x3FAE]  }
0x2b: {  	s6 =	sld [smem:$0x3FAF]  }
0x2c: {  	s7 =	sld [smem:$0x3FB0]  }
0x2d: {  	s3 =	simm.s32 $0x108;
	s8 =	sld [smem:$0x3FB1]  }
0x2e: {  	s3 =	simm.s32 @!p0 $0x1082;
	s9 =	sld [smem:$0x3FB2]  }
0x2f: {  	lr =	sadd.s32 s0, s3;
	s0 =	sld [smem:$0x3FA9]  }
0x30: {  	s3 =	sld [smem:$0x3FAC]  }
0x31: {  	[smem:$0x3FB5] =	sst s10  }
0x32: {  	s10 =	sld [smem:$0x3FB3];
	_ =	sdelay $0x3  }
0x33: {  	p0 =	seq.s32 s10, $0x1;
	s10 =	sld [smem:$0x3FB5];
	_ =	sdelay $0x3  }
0x34: {  	[smem:$0x3FB5] =	sst s10  }
0x35: {  	s10 =	sld [smem:$0x3FB4];
	_ =	sdelay $0x3  }
0x36: {  	p1 =	seq.s32 s10, $0x1;
	s10 =	sld [smem:$0x3FB5];
	_ =	sdelay $0x3  }
0x37: {  	[smem:$0x3FB5] =	sst s10  }
0x38: {  	s10 =	sld [smem:$0x3FB6]  }
0x39: {  	_ = 	snop;
	(pc) =	sbr.ind lr, $3  }
0x3a: {  	_ = 	snop  }
0x3b: {  	_ = 	snop  }
0x3c: {  	p2 =	seq.s32 s10, $0x1;
	s10 =	sld [smem:$0x3FB5]  }
0x3d: {  	_ =	shalt  }
0x3e: {  	_ =	shalt  }
0x3f: {  	_ =	shalt  }
0x40: {  	_ =	shalt  }
0x41: {  	_ =	shalt  }
0x42: {  	_ =	shalt  }
0x43: {  	_ =	shalt  }
0x44: {  	_ =	shalt  }
0x45: {  	_ =	shalt  }
0x46: {  	_ =	shalt  }
0x47: {  	_ =	shalt  }
0x48: {  	_ =	shalt  }
0x49: {  	_ =	shalt  }
0x4a: {  	_ =	shalt  }
0x4b: {  	_ =	shalt  }
0x4c: {  	_ =	shalt  }
0x4d: {  	_ =	shalt  }
0x4e: {  	_ =	shalt  }
0x4f: {  	_ =	shalt  }
0x50: {  	_ =	shalt  }
0x51: {  	_ =	shalt  }
0x52: {  	_ =	shalt  }
0x53: {  	_ =	shalt  }
0x54: {  	_ =	shalt  }
0x55: {  	_ =	shalt  }
0x56: {  	_ =	shalt  }
0x57: {  	_ =	shalt  }
0x58: {  	_ =	shalt  }
0x59: {  	_ =	shalt  }
0x5a: {  	_ =	shalt  }
0x5b: {  	_ =	shalt  }
0x5c: {  	_ =	shalt  }
0x5d: {  	_ =	shalt  }
0x5e: {  	_ =	shalt  }
0x5f: {  	_ =	shalt  }
0x60: {  	_ =	shalt  }
0x61: {  	_ =	shalt  }
0x62: {  	_ =	shalt  }
0x63: {  	_ =	shalt  }
0x64: {  	_ =	shalt  }
0x65: {  	_ =	shalt  }
0x66: {  	_ =	shalt  }
0x67: {  	_ =	shalt  }
0x68: {  	_ =	shalt  }
0x69: {  	_ =	shalt  }
0x6a: {  	_ =	shalt  }
0x6b: {  	_ =	shalt  }
0x6c: {  	_ =	shalt  }
0x6d: {  	_ =	shalt  }
0x6e: {  	_ =	shalt  }
0x6f: {  	_ =	shalt  }
0x70: {  	_ =	shalt  }
0x71: {  	_ =	shalt  }
0x72: {  	_ =	shalt  }
0x73: {  	_ =	shalt  }
0x74: {  	_ =	shalt  }
0x75: {  	_ =	shalt  }
0x76: {  	_ =	shalt  }
0x77: {  	_ =	shalt  }
0x78: {  	_ =	shalt  }
0x79: {  	_ =	shalt  }
0x7a: {  	_ =	shalt  }
0x7b: {  	_ =	shalt  }
0x7c: {  	_ =	shalt  }
0x7d: {  	_ =	shalt  }
0x7e: {  	_ =	shalt  }
0x7f: {  	_ =	shalt  }
0x80: {  	_ =	shalt  }
0x81: {  	_ =	shalt  }
0x82: {  	_ =	shalt  }
0x83: {  	_ =	shalt  }
0x84: {  	_ =	shalt  }
0x85: {  	_ =	shalt  }
0x86: {  	_ =	shalt  }
0x87: {  	_ =	shalt  }
.Lfunc_end0:
.L_simem_size_0:
called_computation_lowered:
.L_overlay_start_0:
0x88: {  	s2 =	sld [smem:$0x3FD9]  }
0x89: {  	s3 =	sld [smem:$0x3FFE];
	_ =	sdelay $0x1  }
0x8a: {  	s1 =	srdreg.scid  }
0x8b: {  	s0 =	sand.u32 $0x1, s1  }
0x8c: {  	s17 =	sshll.u32 s0, $0xA;
	s2 =	sadd.s32 s3, s2  }
0x8d: {  	s2 =	sadd.s32 s2, s17  }
0x8e: {  	[smem:$0x3FC1] =	sst s2  }
0x8f: {  	_ = 	snop  }
0x90: {  	s2 =	sld [smem:$0x3FC9];
	(tm) =	ssettm $0x1  }
0x91: {  	s18 =	sld [smem:$0x3FFB];
	_ =	sdelay $0x3  }
0x92: {  	_ =	strace s18  }
0x93: {  	s3 =	sld [smem:$0x3FFC];
	_ =	sdelay $0x3  }
0x94: {  	_ =	strace s3  }
0x95: {  	s3 =	sld [smem:$0x3FFD];
	_ =	sdelay $0x3  }
0x96: {  	_ =	strace s3  }
0x97: {  	_ =	strace $0x8FFFFFFF  }
0x98: {  	s19 =	sld [smem:$0x3FDB];
	_ =	sdelay $0x1  }
0x99: {  	s4 =	simm.s32 $_scs_section_size  }
0x9a: {  	s5 =	simm.s32 $_size__tile_overlayer_lowered;
	s6 =	simm.s32 $_tile_overlayer_lowered  }
0x9b: {  	s22 =	simm.s32 $0x1BFF;
	s21 =	sshll.u32 s6, $0x1;
	s3 =	sadd.s32 s4, s19  }
0x9c: {  	s7 =	simm.s32 $0x0;
	s20 =	sshll.u32 s5, $0x1;
	s5 =	sadd.s32 s21, s3  }
0x9d: {  	[timem:s7], [sflag:s22] =	dma.local [hbm:s5], s20  }
0x9e: {  	_ =	swait.ge [sflag:s22], s20  }
0x9f: {  	s4 =	ssub.s32 $0x0, s20;
	[sflag:s22] =	ssyncset.done $0x0  }
0xa0: {  	[sflag:s22] =	ssyncadd.s32 s4;
	_ =	sdelay $0x1  }
0xa1: {  	s23 =	simm.s32 $0x1B8B  }
0xa2: {  	_ =	swait.ge [sflag:s23], $0x1  }
0xa3: {  	[sflag:s23] =	ssyncset.done $0x0  }
0xa4: {  	s25 =	simm.s32 $0x1B8E;
	s24 =	sld [smem:$0x3FFE];
	[sflag:s23] =	ssyncadd.s32 $0xFFFFFFFF  }
0xa5: {  	s26 =	simm.s32 $execute0_lowered;
	[smem:$0x3FD2] =	sst s25  }
0xa6: {  	s5 =	sshll.u32 s26, $0x1;
	_ =	strace $0x80000046;
	[dreg:$0x1] =	wrdreg $0xFFFFFFFF  }
0xa7: {  	s28 =	simm.s32 $_size_execute0_lowered;
	s3 =	sadd.s32 s3, s5;
	[dreg:$0x0] =	wrdreg $0x0  }
0xa8: {  	s5 =	sshll.u32 s28, $0x1;
	[dreg:$0x2] =	wrdreg s3  }
0xa9: {  	[dreg:$0x3] =	wrdreg s5  }
0xaa: {  	[dreg:$0x4] =	wrdreg $0xC0  }
0xab: {  	_ =	task [dreg:s7], $0x5FFFF  }
0xac: {  	[dreg:$0x1] =	wrdreg $0xFFFFFFFF  }
0xad: {  	[dreg:$0x0] =	wrdreg $0x60  }
0xae: {  	[dreg:$0x2] =	wrdreg s2  }
0xaf: {  	[dreg:$0x3] =	wrdreg s24  }
0xb0: {  	[dreg:$0x4] =	wrdreg $0x98000  }
0xb1: {  	[dreg:$0x5] =	wrdreg $0x9  }
0xb2: {  	_ =	task.clear_ibuf [dreg:s7], $0x6FFFF;
	_ =	strace $0x90000046  }
0xb3: {  	s29 =	simm.s32 $0x9;
	_ =	strace $0x80000048  }
0xb4: {  	_ =	swait.ge [sflag:s29], $0x1  }
0xb5: {  	[sflag:s29] =	ssyncadd.s32 $0xFFFFFFFF  }
0xb6: {  	_ =	strace $0x90000048  }
0xb7: {  	_ =	sfence  }
0xb8: {  	s30 =	sld [smem:$0x0];
	_ =	sdelay $0x2  }
0xb9: {  	s31 =	sshll.u32 s1, $0xD;
	s1 =	sshrl.u32 s1, $0x2  }
0xba: {  	s3 =	sand.u32 $0x4000, s31;
	s1 =	sadd.s32 s1, s30  }
0xbb: {  	s0 =	sor.u32 s3, s0;
	s1 =	sshll.u32 s1, $0x11  }
0xbc: {  	s0 =	sor.u32 s1, s0  }
0xbd: {  	s0 =	sadd.s32 $0x8F2B, s0  }
0xbe: {  	[sflag:s0] =	ssyncadd.remote.s32 $0x1  }
0xbf: {  	_ =	sfence.sel $0xFFFF  }
0xc0: {  	[dreg:$0x0] =	wrdreg $0xFFFFFFFF;
	(pc) =	sbr.abs _section_cstart, $3  }
0xc1: {  	[dreg:$0x1] =	wrdreg $0xFFFFFFFF  }
0xc2: {  	_ =	task.clear_ibuf [dreg:s7], $0x2FFFF;
	_ =	strace $0x9FFFFFFF  }
0xc3: {  	(tm) =	ssettm $0x7FFFFFFF  }
tec
execute0_lowered:
.L_overlay_start_1:
0x0: {  	(tag) =	ssettag $0x1  }
0x1: {  	s1 =	rddreg [dreg:$0x0]  }
0x2: {  	s0 =	rddreg [dreg:$0x1]  }
0x3: {  	s2 =	rddreg [dreg:$0x2];
	s4 =	stileid.u32  }
0x4: {  	s3 =	srdreg.scid;
	s9 =	smul.u32 $0x50000, s4  }
0x5: {  	s5 =	simm.s32 $0x0;
	s3 =	sand.u32 $0x1, s3;
	s7 =	smul.u32 $0x14000, s4  }
0x6: {  	s22 =	sshll.u32 s4, $0x1;
	s6 =	smul.u32 $0x140000, s3;
	s9 =	sshrl.u32 s9, $0x2  }
0x7: {  	[smem:$0x7FF] =	sst s5;
	s8 =	sor.u32 s3, s22;
	s10 =	sadd.s32 s9, s2  }
0x8: {  	s7 =	sadd.s32 s7, s6;
	s6 =	smul.u32 $0xA000, s8;
	s8 =	sadd.s32 $0x800, s10  }
0x9: {  	_ =	strace $0x80000047;
	s9 =	sadd.s32 $0x1000, s10;
	[dreg:$0x6] =	wrdreg s8  }
0xa: {  	s11 =	sadd.s32 $0x1800, s10;
	[dreg:$0x7] =	wrdreg s9  }
0xb: {  	s12 =	sadd.s32 $0x2000, s10;
	[dreg:$0x8] =	wrdreg s11  }
0xc: {  	s13 =	sadd.s32 $0x2800, s10;
	[dreg:$0x9] =	wrdreg s12  }
0xd: {  	s14 =	sadd.s32 $0x3000, s10;
	[dreg:$0xa] =	wrdreg s13  }
0xe: {  	s15 =	sadd.s32 $0x3800, s10;
	[dreg:$0xb] =	wrdreg s14  }
0xf: {  	s16 =	sadd.s32 $0x4000, s10;
	[dreg:$0xc] =	wrdreg s15  }
0x10: {  	s17 =	sadd.s32 $0x4800, s10;
	[dreg:$0xd] =	wrdreg s16  }
0x11: {  	s18 =	sadd.s32 $0x5000, s10;
	[dreg:$0xe] =	wrdreg s17  }
0x12: {  	s3 =	ssub.s32 $0x2, s3;
	s19 =	sadd.s32 $0x5800, s10;
	[dreg:$0xf] =	wrdreg s18  }
0x13: {  	s24 =	sshrl.u32 s3, $0x1;
	s20 =	sadd.s32 $0x6000, s10;
	[dreg:$0x10] =	wrdreg s19  }
0x14: {  	s3 =	ssub.s32 s3, s24;
	s21 =	sadd.s32 $0x6800, s10;
	[dreg:$0x11] =	wrdreg s20  }
0x15: {  	s22 =	smax.u32 s3, $0x1;
	[dreg:$0x12] =	wrdreg s21  }
0x16: {  	s5 =	sadd.s32 $0xE00, s0;
	s24 =	sadd.s32 $0x7800, s10;
	[dreg:$0x14] =	wrdreg s22  }
0x17: {  	s23 =	sshrl.u32 s7, $0x3;
	s3 =	sadd.s32 $0x9800, s10;
	[dreg:$0x16] =	wrdreg s24  }
0x18: {  	s7 =	sadd.s32 $0x28E00, s0;
	s4 =	sadd.s32 $0xA000, s10;
	[dreg:$0x1a] =	wrdreg s3  }
0x19: {  	s0 =	sadd.s32 s23, s0;
	s23 =	sadd.s32 $0x7000, s10;
	[dreg:$0x1b] =	wrdreg s4  }
0x1a: {  	s8 =	sadd.s32 $0xA800, s10;
	[dreg:$0x15] =	wrdreg s23  }
0x1b: {  	s9 =	sadd.s32 $0xB000, s10;
	[dreg:$0x1c] =	wrdreg s8  }
0x1c: {  	s11 =	sadd.s32 $0xB800, s10;
	[dreg:$0x1d] =	wrdreg s9  }
0x1d: {  	s12 =	sadd.s32 $0xC000, s10;
	[dreg:$0x1e] =	wrdreg s11  }
0x1e: {  	s13 =	sadd.s32 $0xC800, s10;
	[dreg:$0x1f] =	wrdreg s12  }
0x1f: {  	s14 =	sadd.s32 $0xD000, s10;
	[smem:$0x7EF] =	sst s13  }
0x20: {  	s15 =	sadd.s32 $0xD800, s10;
	[smem:$0x7F0] =	sst s14  }
0x21: {  	s16 =	sadd.s32 $0xE000, s10;
	[smem:$0x7F1] =	sst s15  }
0x22: {  	s17 =	sadd.s32 $0xE800, s10;
	[smem:$0x7F2] =	sst s16  }
0x23: {  	s18 =	sadd.s32 $0xF000, s10;
	[smem:$0x7F3] =	sst s17  }
0x24: {  	s19 =	sadd.s32 $0xF800, s10;
	[smem:$0x7F4] =	sst s18  }
0x25: {  	s20 =	sadd.s32 $0x10000, s10;
	[smem:$0x7F5] =	sst s19  }
0x26: {  	s21 =	sadd.s32 $0x10800, s10;
	[smem:$0x7F6] =	sst s20  }
0x27: {  	s22 =	sadd.s32 $0x11000, s10;
	[smem:$0x7F7] =	sst s21  }
0x28: {  	s25 =	sshrl.u32 s6, $0x3;
	s24 =	sadd.s32 $0x12000, s10;
	[smem:$0x7F8] =	sst s22  }
0x29: {  	s26 =	sadd.s32 s5, s25;
	[smem:$0x7FA] =	sst s24  }
0x2a: {  	s28 =	sadd.s32 s7, s25;
	[dreg:$0x4] =	wrdreg s26  }
0x2b: {  	s0 =	sadd.s32 $0x50E00, s0;
	[dreg:$0x5] =	wrdreg s28  }
0x2c: {  	s25 =	sadd.s32 $0x8000, s10;
	[dreg:$0x13] =	wrdreg s0  }
0x2d: {  	s23 =	sadd.s32 $0x11800, s10;
	[dreg:$0x17] =	wrdreg s25  }
0x2e: {  	s29 =	simm.s32 $0xA;
	s26 =	sadd.s32 $0x8800, s10;
	[smem:$0x7F9] =	sst s23  }
0x2f: {  	s30 =	simm.s32 $0x28;
	s28 =	sadd.s32 $0x9000, s10;
	[dreg:$0x18] =	wrdreg s26  }
0x30: {  	s31 =	simm.s32 $0x9000;
	s25 =	sadd.s32 $0x12800, s10;
	[dreg:$0x19] =	wrdreg s28  }
0x31: {  	s9 =	simm.s32 $0x5;
	[smem:$0x7FB] =	sst s25;
	s26 =	sadd.s32 $0x13000, s10  }
0x32: {  	s11 =	simm.s32 $0x6;
	s28 =	sadd.s32 $0x13800, s10;
	[smem:$0x7FC] =	sst s26  }
0x33: {  	v0 =	vimm.f32 $0.0e+00;
	s12 =	simm.s32 $0x0;
	s0 =	simm.s32 $0x9;
	[smem:$0x7FD] =	sst s28  }
.LBB2_1:
0x34: {  	s3 =	simm.s32 $0x0;
	s4 =	rddreg [dreg:$0x4]  }
0x35: {  	[tilespmem:s3], [sflag:$0xA] =	stream.linear.gather [hbm4b:s4+s3], $0xC80, $0x38;
	[tilespmem:$0x1D800] =	vst v63  }
0x36: {  	_ =	swait.ge [sflag:s29], $0xC80  }
0x37: {  	[sflag:s29] =	ssyncset.done $0x0  }
0x38: {  	s8 =	simm.s32 $0x2000;
	s24 =	rddreg [dreg:$0x5];
	[sflag:s29] =	ssyncadd.s32 $0xFFFFF380  }
0x39: {  	[tilespmem:s8], [sflag:$0xA] =	stream.linear.gather [hbm4b:s24+s3], $0xC80, $0x38;
	[tilespmem:$0x1D800] =	vst v63  }
0x3a: {  	_ =	swait.ge [sflag:s29], $0xC80  }
0x3b: {  	[sflag:s29] =	ssyncset.done $0x0  }
0x3c: {  	s25 =	simm.s32 $0x4000;
	s26 =	simm.s32 $0x80;
	[sflag:s29] =	ssyncadd.s32 $0xFFFFF380  }
0x3d: {  	[tilespmem:s25], [sflag:$0x1] =	stream.indirect.gather [hbm4b:s1+s30], $0x80, s3, s30, $0xb8;
	[tilespmem:$0x1D800] =	vst v63  }
0x3e: {  	s28 =	simm.s32 $0x5400;
	s13 =	simm.s32 $0x0;
	s14 =	simm.s32 $0x200  }
0x3f: {  	[tilespmem:s28], [sflag:$0x2] =	stream.indirect.gather [hbm4b:s1+s30], $0x80, s26, s30, $0xb8;
	[tilespmem:$0x1D800] =	vst v63  }
.LBB2_2:
0x40: {  	p0 =	sne.s32 s14, $0x1E00;
	[tilespmem:s13+$0x9070] =	vst v0  }
0x41: {  	[tilespmem:s13+$0x9000] =	vst v0  }
0x42: {  	[tilespmem:s13+$0x9010] =	vst v0  }
.Ltmp0:
0x43: {  	[tilespmem:s13+$0x9020] =	vst v0;
	(pc) =	sbr.rel @p0 .LBB2_2-.Ltmp0, $4  }
0x44: {  	[tilespmem:s13+$0x9030] =	vst v0  }
0x45: {  	[tilespmem:s13+$0x9040] =	vst v0  }
0x46: {  	[tilespmem:s13+$0x9050] =	vst v0  }
0x47: {  	[tilespmem:s13+$0x9060] =	vst v0;
	s13 =	sshra.s32 s14, $0x2;
	s14 =	sadd.s32 $0x200, s14  }
0x48: {  	[tilespmem:s13+$0x9070] =	vst v0  }
0x49: {  	[tilespmem:s13+$0x9000] =	vst v0  }
0x4a: {  	[tilespmem:s13+$0x9010] =	vst v0  }
0x4b: {  	[tilespmem:s13+$0x9020] =	vst v0  }
0x4c: {  	[tilespmem:s13+$0x9030] =	vst v0  }
0x4d: {  	[tilespmem:s13+$0x9040] =	vst v0  }
0x4e: {  	[tilespmem:s13+$0x9050] =	vst v0  }
0x4f: {  	[tilespmem:s13+$0x9060] =	vst v0;
	s3 =	rddreg [dreg:$0x6]  }
0x50: {  	[spmem:s10] =	stream.linear.scatter [tilespmem:s31], [sflag:$0x9], $0x800, $0x38;
	[tilespmem:$0x1D800] =	vst v63  }
0x51: {  	s21 =	rddreg [dreg:$0x7]  }
0x52: {  	[spmem:s3] =	stream.linear.scatter [tilespmem:s31], [sflag:$0x9], $0x800, $0x38;
	[tilespmem:$0x1D800] =	vst v63  }
0x53: {  	s22 =	rddreg [dreg:$0x8]  }
0x54: {  	[spmem:s21] =	stream.linear.scatter [tilespmem:s31], [sflag:$0x9], $0x800, $0x38;
	[tilespmem:$0x1D800] =	vst v63  }
0x55: {  	s23 =	rddreg [dreg:$0x9]  }
0x56: {  	[spmem:s22] =	stream.linear.scatter [tilespmem:s31], [sflag:$0x9], $0x800, $0x38;
	[tilespmem:$0x1D800] =	vst v63  }
0x57: {  	s24 =	rddreg [dreg:$0xa]  }
0x58: {  	[spmem:s23] =	stream.linear.scatter [tilespmem:s31], [sflag:$0x9], $0x800, $0x38;
	[tilespmem:$0x1D800] =	vst v63  }
0x59: {  	s25 =	rddreg [dreg:$0xb]  }
0x5a: {  	[spmem:s24] =	stream.linear.scatter [tilespmem:s31], [sflag:$0x9], $0x800, $0x38;
	[tilespmem:$0x1D800] =	vst v63  }
0x5b: {  	s26 =	rddreg [dreg:$0xc]  }
0x5c: {  	[spmem:s25] =	stream.linear.scatter [tilespmem:s31], [sflag:$0x9], $0x800, $0x38;
	[tilespmem:$0x1D800] =	vst v63  }
0x5d: {  	s4 =	rddreg [dreg:$0xd]  }
0x5e: {  	[spmem:s26] =	stream.linear.scatter [tilespmem:s31], [sflag:$0x9], $0x800, $0x38;
	[tilespmem:$0x1D800] =	vst v63  }
0x5f: {  	s8 =	rddreg [dreg:$0xe]  }
0x60: {  	[spmem:s4] =	stream.linear.scatter [tilespmem:s31], [sflag:$0x9], $0x800, $0x38;
	[tilespmem:$0x1D800] =	vst v63  }
0x61: {  	s13 =	rddreg [dreg:$0xf]  }
0x62: {  	[spmem:s8] =	stream.linear.scatter [tilespmem:s31], [sflag:$0x9], $0x800, $0x38;
	[tilespmem:$0x1D800] =	vst v63  }
0x63: {  	s14 =	rddreg [dreg:$0x10]  }
0x64: {  	[spmem:s13] =	stream.linear.scatter [tilespmem:s31], [sflag:$0x9], $0x800, $0x38;
	[tilespmem:$0x1D800] =	vst v63  }
0x65: {  	s15 =	rddreg [dreg:$0x11]  }
0x66: {  	[spmem:s14] =	stream.linear.scatter [tilespmem:s31], [sflag:$0x9], $0x800, $0x38;
	[tilespmem:$0x1D800] =	vst v63  }
0x67: {  	s16 =	rddreg [dreg:$0x12]  }
0x68: {  	[spmem:s15] =	stream.linear.scatter [tilespmem:s31], [sflag:$0x9], $0x800, $0x38;
	[tilespmem:$0x1D800] =	vst v63  }
0x69: {  	s17 =	rddreg [dreg:$0x15]  }
0x6a: {  	[spmem:s16] =	stream.linear.scatter [tilespmem:s31], [sflag:$0x9], $0x800, $0x38;
	[tilespmem:$0x1D800] =	vst v63  }
0x6b: {  	s18 =	rddreg [dreg:$0x16]  }
0x6c: {  	[spmem:s17] =	stream.linear.scatter [tilespmem:s31], [sflag:$0x9], $0x800, $0x38;
	[tilespmem:$0x1D800] =	vst v63  }
0x6d: {  	s19 =	rddreg [dreg:$0x17]  }
0x6e: {  	[spmem:s18] =	stream.linear.scatter [tilespmem:s31], [sflag:$0x9], $0x800, $0x38;
	[tilespmem:$0x1D800] =	vst v63  }
0x6f: {  	s20 =	rddreg [dreg:$0x18]  }
0x70: {  	[spmem:s19] =	stream.linear.scatter [tilespmem:s31], [sflag:$0x9], $0x800, $0x38;
	[tilespmem:$0x1D800] =	vst v63  }
0x71: {  	s21 =	rddreg [dreg:$0x19]  }
0x72: {  	[spmem:s20] =	stream.linear.scatter [tilespmem:s31], [sflag:$0x9], $0x800, $0x38;
	[tilespmem:$0x1D800] =	vst v63  }
0x73: {  	s22 =	rddreg [dreg:$0x1a]  }
0x74: {  	[spmem:s21] =	stream.linear.scatter [tilespmem:s31], [sflag:$0x9], $0x800, $0x38;
	[tilespmem:$0x1D800] =	vst v63  }
0x75: {  	s23 =	rddreg [dreg:$0x1b]  }
0x76: {  	[spmem:s22] =	stream.linear.scatter [tilespmem:s31], [sflag:$0x9], $0x800, $0x38;
	[tilespmem:$0x1D800] =	vst v63  }
0x77: {  	s24 =	rddreg [dreg:$0x1c]  }
0x78: {  	[spmem:s23] =	stream.linear.scatter [tilespmem:s31], [sflag:$0x9], $0x800, $0x38;
	[tilespmem:$0x1D800] =	vst v63  }
0x79: {  	s25 =	rddreg [dreg:$0x1d]  }
0x7a: {  	[spmem:s24] =	stream.linear.scatter [tilespmem:s31], [sflag:$0x9], $0x800, $0x38;
	[tilespmem:$0x1D800] =	vst v63  }
0x7b: {  	s26 =	rddreg [dreg:$0x1e]  }
0x7c: {  	[spmem:s25] =	stream.linear.scatter [tilespmem:s31], [sflag:$0x9], $0x800, $0x38;
	[tilespmem:$0x1D800] =	vst v63  }
0x7d: {  	s4 =	rddreg [dreg:$0x1f]  }
0x7e: {  	[spmem:s26] =	stream.linear.scatter [tilespmem:s31], [sflag:$0x9], $0x800, $0x38;
	[tilespmem:$0x1D800] =	vst v63  }
0x7f: {  	s8 =	sld [smem:$0x7EF]  }
0x80: {  	[spmem:s4] =	stream.linear.scatter [tilespmem:s31], [sflag:$0x9], $0x800, $0x38;
	[tilespmem:$0x1D800] =	vst v63  }
0x81: {  	s13 =	sld [smem:$0x7F0]  }
0x82: {  	[spmem:s8] =	stream.linear.scatter [tilespmem:s31], [sflag:$0x9], $0x800, $0x38;
	[tilespmem:$0x1D800] =	vst v63  }
0x83: {  	s14 =	sld [smem:$0x7F1]  }
0x84: {  	[spmem:s13] =	stream.linear.scatter [tilespmem:s31], [sflag:$0x9], $0x800, $0x38;
	[tilespmem:$0x1D800] =	vst v63  }
0x85: {  	s15 =	sld [smem:$0x7F2]  }
0x86: {  	[spmem:s14] =	stream.linear.scatter [tilespmem:s31], [sflag:$0x9], $0x800, $0x38;
	[tilespmem:$0x1D800] =	vst v63  }
0x87: {  	s16 =	sld [smem:$0x7F3]  }
0x88: {  	[spmem:s15] =	stream.linear.scatter [tilespmem:s31], [sflag:$0x9], $0x800, $0x38;
	[tilespmem:$0x1D800] =	vst v63  }
0x89: {  	s17 =	sld [smem:$0x7F4]  }
0x8a: {  	[spmem:s16] =	stream.linear.scatter [tilespmem:s31], [sflag:$0x9], $0x800, $0x38;
	[tilespmem:$0x1D800] =	vst v63  }
0x8b: {  	s18 =	sld [smem:$0x7F5]  }
0x8c: {  	[spmem:s17] =	stream.linear.scatter [tilespmem:s31], [sflag:$0x9], $0x800, $0x38;
	[tilespmem:$0x1D800] =	vst v63  }
0x8d: {  	s19 =	sld [smem:$0x7F6]  }
0x8e: {  	[spmem:s18] =	stream.linear.scatter [tilespmem:s31], [sflag:$0x9], $0x800, $0x38;
	[tilespmem:$0x1D800] =	vst v63  }
0x8f: {  	s20 =	sld [smem:$0x7F7]  }
0x90: {  	[spmem:s19] =	stream.linear.scatter [tilespmem:s31], [sflag:$0x9], $0x800, $0x38;
	[tilespmem:$0x1D800] =	vst v63  }
0x91: {  	s21 =	sld [smem:$0x7F8]  }
0x92: {  	[spmem:s20] =	stream.linear.scatter [tilespmem:s31], [sflag:$0x9], $0x800, $0x38;
	[tilespmem:$0x1D800] =	vst v63  }
0x93: {  	s22 =	sld [smem:$0x7F9]  }
0x94: {  	[spmem:s21] =	stream.linear.scatter [tilespmem:s31], [sflag:$0x9], $0x800, $0x38;
	[tilespmem:$0x1D800] =	vst v63  }
0x95: {  	s23 =	sld [smem:$0x7FA]  }
0x96: {  	[spmem:s22] =	stream.linear.scatter [tilespmem:s31], [sflag:$0x9], $0x800, $0x38;
	[tilespmem:$0x1D800] =	vst v63  }
0x97: {  	s24 =	sld [smem:$0x7FB]  }
0x98: {  	[spmem:s23] =	stream.linear.scatter [tilespmem:s31], [sflag:$0x9], $0x800, $0x38;
	[tilespmem:$0x1D800] =	vst v63  }
0x99: {  	s25 =	sld [smem:$0x7FC]  }
0x9a: {  	[spmem:s24] =	stream.linear.scatter [tilespmem:s31], [sflag:$0x9], $0x800, $0x38;
	[tilespmem:$0x1D800] =	vst v63  }
0x9b: {  	s26 =	sld [smem:$0x7FD]  }
0x9c: {  	[spmem:s25] =	stream.linear.scatter [tilespmem:s31], [sflag:$0x9], $0x800, $0x38;
	[tilespmem:$0x1D800] =	vst v63  }
0x9d: {  	_ = 	snop  }
0x9e: {  	[spmem:s26] =	stream.linear.scatter [tilespmem:s31], [sflag:$0x9], $0x800, $0x38;
	[tilespmem:$0x1D800] =	vst v63  }
0x9f: {  	_ =	swait.ge [sflag:s0], $0x800  }
0xa0: {  	[sflag:s0] =	ssyncset.done $0x0  }
0xa1: {  	[sflag:s0] =	ssyncadd.s32 $0xFFFFF800  }
0xa2: {  	_ =	swait.ge [sflag:s0], $0x800  }
0xa3: {  	[sflag:s0] =	ssyncset.done $0x0  }
0xa4: {  	[sflag:s0] =	ssyncadd.s32 $0xFFFFF800  }
0xa5: {  	_ =	swait.ge [sflag:s0], $0x800  }
0xa6: {  	[sflag:s0] =	ssyncset.done $0x0  }
0xa7: {  	[sflag:s0] =	ssyncadd.s32 $0xFFFFF800  }
0xa8: {  	_ =	swait.ge [sflag:s0], $0x800  }
0xa9: {  	[sflag:s0] =	ssyncset.done $0x0  }
0xaa: {  	[sflag:s0] =	ssyncadd.s32 $0xFFFFF800  }
0xab: {  	_ =	swait.ge [sflag:s0], $0x800  }
0xac: {  	[sflag:s0] =	ssyncset.done $0x0  }
0xad: {  	[sflag:s0] =	ssyncadd.s32 $0xFFFFF800  }
0xae: {  	_ =	swait.ge [sflag:s0], $0x800  }
0xaf: {  	[sflag:s0] =	ssyncset.done $0x0  }
0xb0: {  	[sflag:s0] =	ssyncadd.s32 $0xFFFFF800  }
0xb1: {  	_ =	swait.ge [sflag:s0], $0x800  }
0xb2: {  	[sflag:s0] =	ssyncset.done $0x0  }
0xb3: {  	[sflag:s0] =	ssyncadd.s32 $0xFFFFF800  }
0xb4: {  	_ =	swait.ge [sflag:s0], $0x800  }
0xb5: {  	[sflag:s0] =	ssyncset.done $0x0  }
0xb6: {  	[sflag:s0] =	ssyncadd.s32 $0xFFFFF800  }
0xb7: {  	_ =	swait.ge [sflag:s0], $0x800  }
0xb8: {  	[sflag:s0] =	ssyncset.done $0x0  }
0xb9: {  	[sflag:s0] =	ssyncadd.s32 $0xFFFFF800  }
0xba: {  	_ =	swait.ge [sflag:s0], $0x800  }
0xbb: {  	[sflag:s0] =	ssyncset.done $0x0  }
0xbc: {  	[sflag:s0] =	ssyncadd.s32 $0xFFFFF800  }
0xbd: {  	_ =	swait.ge [sflag:s0], $0x800  }
0xbe: {  	[sflag:s0] =	ssyncset.done $0x0  }
0xbf: {  	[sflag:s0] =	ssyncadd.s32 $0xFFFFF800  }
0xc0: {  	_ =	swait.ge [sflag:s0], $0x800  }
0xc1: {  	[sflag:s0] =	ssyncset.done $0x0  }
0xc2: {  	[sflag:s0] =	ssyncadd.s32 $0xFFFFF800  }
0xc3: {  	_ =	swait.ge [sflag:s0], $0x800  }
0xc4: {  	[sflag:s0] =	ssyncset.done $0x0  }
0xc5: {  	[sflag:s0] =	ssyncadd.s32 $0xFFFFF800  }
0xc6: {  	_ =	swait.ge [sflag:s0], $0x800  }
0xc7: {  	[sflag:s0] =	ssyncset.done $0x0  }
0xc8: {  	[sflag:s0] =	ssyncadd.s32 $0xFFFFF800  }
0xc9: {  	_ =	swait.ge [sflag:s0], $0x800  }
0xca: {  	[sflag:s0] =	ssyncset.done $0x0  }
0xcb: {  	[sflag:s0] =	ssyncadd.s32 $0xFFFFF800  }
0xcc: {  	_ =	swait.ge [sflag:s0], $0x800  }
0xcd: {  	[sflag:s0] =	ssyncset.done $0x0  }
0xce: {  	[sflag:s0] =	ssyncadd.s32 $0xFFFFF800  }
0xcf: {  	_ =	swait.ge [sflag:s0], $0x800  }
0xd0: {  	[sflag:s0] =	ssyncset.done $0x0  }
0xd1: {  	[sflag:s0] =	ssyncadd.s32 $0xFFFFF800  }
0xd2: {  	_ =	swait.ge [sflag:s0], $0x800  }
0xd3: {  	[sflag:s0] =	ssyncset.done $0x0  }
0xd4: {  	[sflag:s0] =	ssyncadd.s32 $0xFFFFF800  }
0xd5: {  	_ =	swait.ge [sflag:s0], $0x800  }
0xd6: {  	[sflag:s0] =	ssyncset.done $0x0  }
0xd7: {  	[sflag:s0] =	ssyncadd.s32 $0xFFFFF800  }
0xd8: {  	_ =	swait.ge [sflag:s0], $0x800  }
0xd9: {  	[sflag:s0] =	ssyncset.done $0x0  }
0xda: {  	[sflag:s0] =	ssyncadd.s32 $0xFFFFF800  }
0xdb: {  	_ =	swait.ge [sflag:s0], $0x800  }
0xdc: {  	[sflag:s0] =	ssyncset.done $0x0  }
0xdd: {  	[sflag:s0] =	ssyncadd.s32 $0xFFFFF800  }
0xde: {  	_ =	swait.ge [sflag:s0], $0x800  }
0xdf: {  	[sflag:s0] =	ssyncset.done $0x0  }
0xe0: {  	[sflag:s0] =	ssyncadd.s32 $0xFFFFF800  }
0xe1: {  	_ =	swait.ge [sflag:s0], $0x800  }
0xe2: {  	[sflag:s0] =	ssyncset.done $0x0  }
0xe3: {  	[sflag:s0] =	ssyncadd.s32 $0xFFFFF800  }
0xe4: {  	_ =	swait.ge [sflag:s0], $0x800  }
0xe5: {  	[sflag:s0] =	ssyncset.done $0x0  }
0xe6: {  	[sflag:s0] =	ssyncadd.s32 $0xFFFFF800  }
0xe7: {  	_ =	swait.ge [sflag:s0], $0x800  }
0xe8: {  	[sflag:s0] =	ssyncset.done $0x0  }
0xe9: {  	[sflag:s0] =	ssyncadd.s32 $0xFFFFF800  }
0xea: {  	_ =	swait.ge [sflag:s0], $0x800  }
0xeb: {  	[sflag:s0] =	ssyncset.done $0x0  }
0xec: {  	[sflag:s0] =	ssyncadd.s32 $0xFFFFF800  }
0xed: {  	_ =	swait.ge [sflag:s0], $0x800  }
0xee: {  	[sflag:s0] =	ssyncset.done $0x0  }
0xef: {  	[sflag:s0] =	ssyncadd.s32 $0xFFFFF800  }
0xf0: {  	_ =	swait.ge [sflag:s0], $0x800  }
0xf1: {  	[sflag:s0] =	ssyncset.done $0x0  }
0xf2: {  	[sflag:s0] =	ssyncadd.s32 $0xFFFFF800  }
0xf3: {  	_ =	swait.ge [sflag:s0], $0x800  }
0xf4: {  	[sflag:s0] =	ssyncset.done $0x0  }
0xf5: {  	[sflag:s0] =	ssyncadd.s32 $0xFFFFF800  }
0xf6: {  	_ =	swait.ge [sflag:s0], $0x800  }
0xf7: {  	[sflag:s0] =	ssyncset.done $0x0  }
0xf8: {  	[sflag:s0] =	ssyncadd.s32 $0xFFFFF800  }
0xf9: {  	_ =	swait.ge [sflag:s0], $0x800  }
0xfa: {  	[sflag:s0] =	ssyncset.done $0x0  }
0xfb: {  	[sflag:s0] =	ssyncadd.s32 $0xFFFFF800  }
0xfc: {  	_ =	swait.ge [sflag:s0], $0x800  }
0xfd: {  	[sflag:s0] =	ssyncset.done $0x0  }
0xfe: {  	[sflag:s0] =	ssyncadd.s32 $0xFFFFF800  }
0xff: {  	_ =	swait.ge [sflag:s0], $0x800  }
0x100: {  	[sflag:s0] =	ssyncset.done $0x0  }
0x101: {  	[sflag:s0] =	ssyncadd.s32 $0xFFFFF800  }
0x102: {  	s13 =	simm.s32 $0x3;
	_ =	swait.ge [sflag:s0], $0x800  }
0x103: {  	s14 =	sand.u32 $0xFF, s13;
	[sflag:s0] =	ssyncset.done $0x0  }
0x104: {  	s14 =	smul.u32 $0x29, s14;
	[sflag:s0] =	ssyncadd.s32 $0xFFFFF800  }
0x105: {  	_ =	swait.ge [sflag:s0], $0x800  }
0x106: {  	s14 =	sshrl.u32 s14, $0xA;
	[sflag:s0] =	ssyncset.done $0x0  }
0x107: {  	s14 =	smul.u32 $0x19, s14;
	[sflag:s0] =	ssyncadd.s32 $0xFFFFF800  }
0x108: {  	p0 =	por $0x0, $0x0;
	_ =	swait.ge [sflag:s0], $0x800  }
0x109: {  	s16 =	simm.s32 $0x0;
	s14 =	ssub.s32 $0x3, s14;
	[sflag:s0] =	ssyncset.done $0x0  }
0x10a: {  	s17 =	sand.u32 $0xFF, s16;
	s16 =	sand.u32 $0x3, s16;
	[sflag:s0] =	ssyncadd.s32 $0xFFFFF800  }
0x10b: {  	s14 =	sand.u32 @!p0 $0xFF, s14;
	s17 =	smul.u32 $0x29, s17;
	_ =	swait.ge [sflag:s0], $0x800  }
0x10c: {  	s4 =	smul.u32 $0x5000, s16;
	p1 =	sne.s32 @!p0 s14, $0x0;
	[sflag:s0] =	ssyncset.done $0x0  }
0x10d: {  	s14 =	simm.s32 $0x2;
	p2 =	por p1, p0;
	[sflag:s0] =	ssyncadd.s32 $0xFFFFF800  }
0x10e: {  	p0 =	por $0x0, $0x0;
	s13 =	sand.u32 @!p2 $0xFF, s13;
	_ =	swait.ge [sflag:s0], $0x800  }
0x10f: {  	s19 =	simm.s32 @!p2 $0x0;
	s15 =	smul.u32 @!p2 $0xA4, s13;
	[sflag:s0] =	ssyncset.done $0x0  }
0x110: {  	p1 =	por @!p0 $0x1, $0x1;
	s13 =	simm.s32 $0x1;
	[sflag:s0] =	ssyncadd.s32 $0xFFFFF800  }
0x111: {  	p1 =	por p1, p0;
	s18 =	sand.u32 @!p2 $0xF000, s15;
	_ =	swait.ge [sflag:s0], $0x800  }
0x112: {  	s15 =	sand.u32 @!p2 $0x1000, s15;
	s18 =	sadd.s32 @!p2 s6, s18;
	[sflag:s0] =	ssyncset.done $0x0  }
0x113: {  	s20 =	sor.u32 @!p2 $0x2000, s15;
	s18 =	sshrl.u32 @!p2 s18, $0x3;
	[sflag:s0] =	ssyncadd.s32 $0xFFFFF800  }
0x114: {  	s22 =	simm.s32 @!p2 $0xA;
	s24 =	sshrl.u32 s17, $0xA;
	_ =	swait.ge [sflag:s0], $0x800  }
0x115: {  	s21 =	sadd.s32 @!p2 s5, s18;
	s24 =	smul.u32 $0x19, s24;
	[sflag:s0] =	ssyncset.done $0x0  }
0x116: {  	s23 =	sadd.s32 @!p2 s7, s18;
	s18 =	sadd.s32 $0x1, s16;
	[sflag:s0] =	ssyncadd.s32 $0xFFFFF800  }
0x117: {  	s25 =	sshrl.u32 s4, $0x2;
	s24 =	ssub.s32 $0x0, s24;
	[bflag:$0x0] =	sbarrier.arrive $0xFFFF  }
0x118: {  	[tilespmem:s15], [sflag:$0xA] =	stream.linear.gather @!p2 [hbm4b:s21+s19], $0xC80, $0x38;
	[tilespmem:$0x1D800] =	vst v63  }
0x119: {  	s26 =	sshll.u32 s17, $0x2;
	s17 =	simm.s32 $0x2;
	_ =	swait.ge @!p2 [sflag:s22], $0xC80  }
0x11a: {  	s28 =	smul.u32 @!p0 $0x29, s17;
	s15 =	simm.s32 $0x4;
	[sflag:s22] =	ssyncset.done @!p2 $0x0  }
0x11b: {  	s26 =	sand.u32 $0x1000, s26;
	s8 =	sand.u32 $0xFF, s15;
	[sflag:s22] =	ssyncadd.s32 @!p2 $0xFFFFF380  }
0x11c: {  	[tilespmem:s20], [sflag:$0xA] =	stream.linear.gather @!p2 [hbm4b:s23+s19], $0xC80, $0x38;
	[tilespmem:$0x1D800] =	vst v63  }
0x11d: {  	s21 =	smul.u32 $0x29, s8;
	s19 =	sadd.s32 $0x5, s16;
	s16 =	sand.u32 $0xBF, s24  }
0x11e: {  	s20 =	sand.u32 @!p0 $0x3, s17;
	s24 =	sshrl.u32 @!p0 s28, $0xA;
	s16 =	sshll.u32 s16, $0x7  }
0x11f: {  	s4 =	smul.u32 @!p0 $0x5000, s20;
	_ =	swait.ge @!p2 [sflag:s22], $0xC80;
	s3 =	sand.u32 @!p0 $0x3F, s24  }
0x120: {  	s23 =	sadd.s32 @!p1 $0x5, s20;
	s16 =	sor.u32 s16, s26;
	[sflag:s22] =	ssyncset.done @!p2 $0x0  }
0x121: {  	s26 =	sor.u32 $0x2000, s16;
	[sflag:s22] =	ssyncadd.s32 @!p2 $0xFFFFF380;
	s24 =	sshrl.u32 @!p0 s4, $0x2  }
0x122: {  	s4 =	sshll.u32 @!p0 s28, $0x2;
	s28 =	sor.u32 $0x4000, s25;
	_ =	swait.ge [sflag:s18], $0x1400  }
0x123: {  	s25 =	smul.u32 @!p0 $0x19, s3;
	s22 =	sand.u32 @!p0 $0x1000, s4;
	[sflag:s18] =	ssyncset.done $0x0  }
.LBB2_4:
0x124: {  	[sflag:s18] =	ssyncadd.s32 $0xFFFFEC00;
	s16 =	smov.u32 s14;
	s14 =	sadd.s32 $0x1, s14  }
0x125: {  	[spmem:s2] =	stream.indirect.scatter.add.f32 [tilespmem:s28], [sflag:s19], $0x80, s26, s30, $0xb8;
	[tilespmem:$0x1D800] =	vst v63  }
0x126: {  	s3 =	sshrl.u32 s21, $0xA;
	s4 =	sadd.s32 @!p0 $0x1, s20;
	_ =	swait.ge @!p1 [sflag:s23], $0x1400  }
0x127: {  	s18 =	sor.u32 @!p0 $0x4000, s24;
	s3 =	smul.u32 $0x19, s3;
	[sflag:s23] =	ssyncset.done @!p1 $0x0  }
0x128: {  	p2 =	sne.s32 s14, $0xFA;
	[sflag:s23] =	ssyncadd.s32 @!p1 $0xFFFFEC00  }
0x129: {  	s3 =	ssub.s32 s15, s3;
	p1 =	sgt.u32 s13, $0xF6  }
0x12a: {  	s17 =	ssub.s32 @!p0 s17, s25;
	s3 =	sand.u32 @!p1 $0xFF, s3  }
0x12b: {  	p3 =	sne.s32 @!p1 s3, $0x0;
	s3 =	sand.u32 @!p0 $0xFF, s17  }
0x12c: {  	p3 =	por p3, p1;
	s3 =	sshll.u32 @!p0 s3, $0x7  }
0x12d: {  	s17 =	simm.s32 @!p0 $0x28;
	s15 =	sand.u32 @!p3 $0xFF, s15;
	s3 =	sor.u32 @!p0 s3, s22  }
0x12e: {  	s19 =	sand.u32 $0xFF, s13;
	s15 =	smul.u32 @!p3 $0xA4, s15  }
0x12f: {  	[tilespmem:s18], [sflag:s4] =	stream.indirect.gather @!p0 [hbm4b:s1+s17], $0x80, s3, s17, $0xb8;
	[tilespmem:$0x1D800] =	vst v63  }
0x130: {  	s22 =	simm.s32 @!p3 $0x0;
	s3 =	sand.u32 @!p3 $0xF000, s15;
	s4 =	sand.u32 @!p3 $0x1000, s15  }
0x131: {  	p0 =	sgt.u32 s13, $0xF7;
	s3 =	sadd.s32 @!p3 s6, s3;
	s23 =	sor.u32 @!p3 $0x2000, s4  }
0x132: {  	s24 =	simm.s32 @!p3 $0xA;
	p1 =	slt.u32 @!p0 s13, $0x2;
	s3 =	sshrl.u32 @!p3 s3, $0x3  }
0x133: {  	p1 =	por p1, p0;
	s15 =	sadd.s32 @!p3 s5, s3;
	s3 =	sadd.s32 @!p3 s7, s3  }
0x134: {  	[tilespmem:s4], [sflag:$0xA] =	stream.linear.gather @!p3 [hbm4b:s15+s22], $0xC80, $0x38;
	[tilespmem:$0x1D800] =	vst v63  }
0x135: {  	s17 =	smul.u32 $0x29, s19;
	s4 =	sand.u32 $0x3, s13;
	_ =	swait.ge @!p3 [sflag:s24], $0xC80  }
0x136: {  	s15 =	sadd.s32 $0x3, s16;
	s18 =	smul.u32 $0x5000, s4;
	[sflag:s24] =	ssyncset.done @!p3 $0x0  }
0x137: {  	s19 =	sshrl.u32 s17, $0xA;
	s20 =	sand.u32 $0xFF, s15;
	[sflag:s24] =	ssyncadd.s32 @!p3 $0xFFFFF380  }
0x138: {  	s21 =	smul.u32 $0x19, s19;
	s25 =	sshrl.u32 s18, $0x2;
	s18 =	sadd.s32 $0x1, s4  }
0x139: {  	s26 =	sshll.u32 s17, $0x2;
	s17 =	sadd.s32 $0x2, s13;
	s19 =	sadd.s32 $0x5, s4  }
0x13a: {  	s28 =	smul.u32 @!p0 $0x29, s17;
	s4 =	ssub.s32 s13, s21;
	s13 =	sand.u32 $0x1000, s26  }
0x13b: {  	s21 =	smul.u32 $0x29, s20;
	s20 =	sand.u32 @!p0 $0x3, s17;
	s4 =	sand.u32 $0xBF, s4  }
0x13c: {  	s26 =	sshrl.u32 @!p0 s28, $0xA;
	s8 =	smul.u32 @!p0 $0x5000, s20;
	s4 =	sshll.u32 s4, $0x7  }
0x13d: {  	[tilespmem:s23], [sflag:$0xA] =	stream.linear.gather @!p3 [hbm4b:s3+s22], $0xC80, $0x38;
	[tilespmem:$0x1D800] =	vst v63  }
0x13e: {  	s3 =	sor.u32 s4, s13  }
.Ltmp1:
0x13f: {  	s4 =	sand.u32 @!p0 $0x3F, s26;
	_ =	swait.ge @!p3 [sflag:s24], $0xC80;
	(pc) =	sbr.rel @p2 .LBB2_4-.Ltmp1, $4  }
0x140: {  	s23 =	sadd.s32 @!p1 $0x5, s20;
	s26 =	sor.u32 $0x2000, s3;
	[sflag:s24] =	ssyncset.done @!p3 $0x0  }
0x141: {  	s3 =	sshll.u32 @!p0 s28, $0x2;
	[sflag:s24] =	ssyncadd.s32 @!p3 $0xFFFFF380;
	s24 =	sshrl.u32 @!p0 s8, $0x2  }
0x142: {  	s28 =	sor.u32 $0x4000, s25;
	s25 =	smul.u32 @!p0 $0x19, s4;
	_ =	swait.ge [sflag:s18], $0x1400  }
0x143: {  	s13 =	smov.u32 s16;
	s22 =	sand.u32 @!p0 $0x1000, s3;
	[sflag:s18] =	ssyncset.done $0x0  }
0x144: {  	s3 =	sshrl.u32 s21, $0xA  }
0x145: {  	[sflag:s18] =	ssyncadd.s32 $0xFFFFEC00;
	s3 =	smul.u32 $0x19, s3  }
0x146: {  	[spmem:s2] =	stream.indirect.scatter.add.f32 [tilespmem:s28], [sflag:s19], $0x80, s26, s30, $0xb8;
	[tilespmem:$0x1D800] =	vst v63  }
0x147: {  	p2 =	sgt.u32 s13, $0xF6;
	_ =	swait.ge @!p1 [sflag:s23], $0x1400;
	s3 =	ssub.s32 s15, s3  }
0x148: {  	s4 =	ssub.s32 @!p0 s17, s25;
	[sflag:s23] =	ssyncset.done @!p1 $0x0;
	s3 =	sand.u32 @!p2 $0xFF, s3  }
0x149: {  	s4 =	sand.u32 @!p0 $0xFF, s4;
	[sflag:s23] =	ssyncadd.s32 @!p1 $0xFFFFEC00;
	p1 =	sne.s32 @!p2 s3, $0x0  }
0x14a: {  	s4 =	sshll.u32 @!p0 s4, $0x7;
	p1 =	por p1, p2  }
0x14b: {  	s8 =	sor.u32 @!p0 $0x4000, s24;
	s4 =	sor.u32 @!p0 s4, s22;
	s14 =	sand.u32 @!p1 $0xFF, s15  }
0x14c: {  	s3 =	sadd.s32 @!p0 $0x1, s20;
	s15 =	simm.s32 @!p0 $0x28;
	s14 =	smul.u32 @!p1 $0xA4, s14  }
0x14d: {  	[tilespmem:s8], [sflag:s3] =	stream.indirect.gather @!p0 [hbm4b:s1+s15], $0x80, s4, s15, $0xb8;
	[tilespmem:$0x1D800] =	vst v63  }
0x14e: {  	s3 =	sand.u32 @!p1 $0xF000, s14  }
0x14f: {  	s17 =	sand.u32 $0xFF, s13;
	s18 =	sand.u32 $0x3, s13;
	s3 =	sadd.s32 @!p1 s6, s3  }
0x150: {  	s19 =	smul.u32 $0x5000, s18;
	s8 =	simm.s32 @!p1 $0x0;
	s3 =	sshrl.u32 @!p1 s3, $0x3  }
0x151: {  	s4 =	sand.u32 @!p1 $0x1000, s14;
	s14 =	simm.s32 @!p1 $0xA;
	s15 =	sadd.s32 @!p1 s5, s3  }
0x152: {  	[tilespmem:s4], [sflag:$0xA] =	stream.linear.gather @!p1 [hbm4b:s15+s8], $0xC80, $0x38;
	[tilespmem:$0x1D800] =	vst v63  }
0x153: {  	s15 =	smul.u32 $0x29, s17;
	_ =	swait.ge @!p1 [sflag:s14], $0xC80  }
0x154: {  	s21 =	sadd.s32 $0x1, s18;
	s3 =	sadd.s32 @!p1 s7, s3;
	[sflag:s14] =	ssyncset.done @!p1 $0x0  }
0x155: {  	s4 =	sor.u32 @!p1 $0x2000, s4;
	s20 =	sshrl.u32 s15, $0xA;
	[sflag:s14] =	ssyncadd.s32 @!p1 $0xFFFFF380  }
0x156: {  	[tilespmem:s4], [sflag:$0xA] =	stream.linear.gather @!p1 [hbm4b:s3+s8], $0xC80, $0x38;
	[tilespmem:$0x1D800] =	vst v63  }
0x157: {  	p0 =	sgt.u32 s13, $0xF7;
	s15 =	sshll.u32 s15, $0x2;
	s8 =	smul.u32 $0x19, s20  }
0x158: {  	p2 =	slt.u32 @!p0 s13, $0x2;
	s15 =	sand.u32 $0x1000, s15;
	_ =	swait.ge @!p1 [sflag:s14], $0xC80  }
0x159: {  	s4 =	sshrl.u32 s19, $0x2;
	[sflag:s14] =	ssyncset.done @!p1 $0x0;
	s8 =	ssub.s32 s13, s8  }
0x15a: {  	s3 =	sadd.s32 $0x5, s18;
	[sflag:s14] =	ssyncadd.s32 @!p1 $0xFFFFF380;
	s8 =	sand.u32 $0xBF, s8  }
0x15b: {  	s4 =	sor.u32 $0x4000, s4;
	s8 =	sshll.u32 s8, $0x7;
	_ =	swait.ge [sflag:s21], $0x1400  }
0x15c: {  	s13 =	sadd.s32 $0x2, s13;
	s8 =	sor.u32 s8, s15;
	[sflag:s21] =	ssyncset.done $0x0  }
0x15d: {  	s15 =	smul.u32 @!p0 $0x29, s13;
	s8 =	sor.u32 $0x2000, s8;
	[sflag:s21] =	ssyncadd.s32 $0xFFFFEC00  }
0x15e: {  	[spmem:s2] =	stream.indirect.scatter.add.f32 [tilespmem:s4], [sflag:s3], $0x80, s8, s30, $0xb8;
	[tilespmem:$0x1D800] =	vst v63  }
0x15f: {  	s4 =	sshrl.u32 @!p0 s15, $0xA  }
0x160: {  	p1 =	por p2, p0;
	s3 =	sand.u32 @!p0 $0x3, s13;
	s4 =	sand.u32 @!p0 $0x3F, s4  }
0x161: {  	s8 =	sadd.s32 @!p1 $0x5, s3;
	s4 =	smul.u32 @!p0 $0x19, s4  }
0x162: {  	s22 =	simm.s32 $0x7;
	s14 =	smul.u32 @!p0 $0x5000, s3;
	_ =	swait.ge @!p1 [sflag:s8], $0x1400  }
0x163: {  	s3 =	sadd.s32 @!p0 $0x1, s3;
	[sflag:s8] =	ssyncset.done @!p1 $0x0;
	s4 =	ssub.s32 @!p0 s13, s4  }
0x164: {  	[sflag:s8] =	ssyncadd.s32 @!p1 $0xFFFFEC00;
	s13 =	sshll.u32 @!p0 s15, $0x2;
	s4 =	sand.u32 @!p0 $0xFF, s4  }
0x165: {  	s8 =	sshrl.u32 @!p0 s14, $0x2;
	s13 =	sand.u32 @!p0 $0x1000, s13;
	s4 =	sshll.u32 @!p0 s4, $0x7  }
0x166: {  	s8 =	sor.u32 @!p0 $0x4000, s8;
	s4 =	sor.u32 @!p0 s4, s13;
	s13 =	simm.s32 @!p0 $0x28  }
0x167: {  	[tilespmem:s8], [sflag:s3] =	stream.indirect.gather @!p0 [hbm4b:s1+s13], $0x80, s4, s13, $0xb8;
	[tilespmem:$0x1D800] =	vst v63  }
0x168: {  	_ =	swait.ge [sflag:s22], $0x1400  }
0x169: {  	[sflag:s22] =	ssyncset.done $0x0  }
0x16a: {  	s23 =	simm.s32 $0x8;
	[sflag:s22] =	ssyncadd.s32 $0xFFFFEC00  }
0x16b: {  	_ =	swait.ge [sflag:s23], $0x1400  }
0x16c: {  	[sflag:s23] =	ssyncset.done $0x0  }
0x16d: {  	[sflag:s23] =	ssyncadd.s32 $0xFFFFEC00  }
0x16e: {  	_ =	swait.ge [sflag:s9], $0x1400  }
0x16f: {  	[sflag:s9] =	ssyncset.done $0x0  }
0x170: {  	[sflag:s9] =	ssyncadd.s32 $0xFFFFEC00  }
0x171: {  	_ =	swait.ge [sflag:s11], $0x1400  }
0x172: {  	[sflag:s11] =	ssyncset.done $0x0  }
0x173: {  	s24 =	stileid.u32;
	[sflag:s11] =	ssyncadd.s32 $0xFFFFEC00  }
0x174: {  	s3 =	sshll.u32 s24, $0x6;
	[bflag:$0x0] =	sbarrier.arrive $0xFFFF  }
0x175: {  	s25 =	sshrl.u32 s10, $0x3;
	s3 =	sor.u32 $0x1C0A, s3;
	s26 =	rddreg [dreg:$0x13]  }
0x176: {  	[hbm:s26], [sflag:s3] =	dma.local [spmem:s25], $0x2800  }
0x177: {  	_ =	swait.ge [sflag:s29], $0x2800  }
0x178: {  	s12 =	sadd.s32 $0x1, s12;
	s28 =	rddreg [dreg:$0x14]  }
0x179: {  	p0 =	sne.s32 s12, s28  }
.Ltmp2:
0x17a: {  	_ = 	snop;
	(pc) =	sbr.rel @p0 .LBB2_1-.Ltmp2, $3  }
0x17b: {  	_ =	sdelay $0x1  }
0x17c: {  	[sflag:s29] =	ssyncset.done $0x0  }
0x17d: {  	[sflag:s29] =	ssyncadd.s32 $0xFFFFD800  }
0x17e: {  	_ =	sfence.sel $0x180000  }
0x17f: {  	[bflag:$0x0] =	sbarrier.arrive $0xFFFF  }
0x180: {  	_ =	strace $0x90000047  }
0x181: {  	s0 =	stileid.u32;
	[bflag:$0x2] =	sbarrier.arrive $0xFFFF  }
0x182: {  	p0 =	sne.s32 s0, $0x0;
	s0 =	rddreg [dreg:$0x3]  }
0x183: {  	s0 =	sadd.s32 @!p0 $0x100000, s0  }
0x184: {  	[sflag:s0] =	ssyncadd.tile.s32 @!p0 $0x1;
	_ =	shalt  }
.Lfunc_end2:
_tile_overlayer_lowered:
.L_overlay_start_2:
0x185: {  	(tag) =	ssettag $0x2  }
0x186: {  	s0 =	rddreg [dreg:$0x0];
	s2 =	stileid.u32  }
0x187: {  	s1 =	rddreg [dreg:$0x1];
	p0 =	sne.s32 s2, $0x0  }
0x188: {  	s3 =	rddreg [dreg:$0x2];
	[bflag:$0x3] =	sbarrier.arrive $0xFFFF;
	s2 =	simm.s32 @!p0 $0x1C0A  }
0x189: {  	[timem:s3], [sflag:s2] =	dma.local @!p0 [hbm:s0], s1  }
0x18a: {  	s0 =	simm.s32 @!p0 $0xA  }
0x18b: {  	_ =	swait.ge @!p0 [sflag:s0], s1  }
0x18c: {  	s1 =	ssub.s32 @!p0 $0x0, s1;
	[sflag:s0] =	ssyncset.done @!p0 $0x0  }
0x18d: {  	[sflag:s0] =	ssyncadd.s32 @!p0 s1  }
0x18e: {  	[bflag:$0x3] =	sbarrier.arrive $0xFFFF  }
0x18f: {  	_ =	shalt  }

</sc_bundles>
